<compile_context>
chip_gen: v7x
topology: tpu7x:2x2x1
jax: 0.10.2.dev20260603
libtpu: 0.0.44.dev20260713+nightly
codegen_flags: <defaults>
</compile_context>

<pallas_src>
import jax
import jax.numpy as jnp
from jax import lax
from jax.experimental import pallas as pl
from jax.experimental.pallas import tpu as pltpu
from jax.experimental.pallas import tpu_sc as plsc

_N, _D, _E, _R, _M, _G = 2048, 1024, 64, 16, 8, 8
_TILE = 512
_NEG = -1e30

_NC, _NS, _L = 2, 16, 16
_NW = _NC * _NS
_TPW = _N // _NW


def _score_body(h_ref, wcat_ref, bias_ref, s_ref):
    s = jnp.dot(h_ref[...], wcat_ref[...], preferred_element_type=jnp.float32)
    s_ref[...] = s + bias_ref[0:1, :]


def _sc_route_body(scores_hbm, eid_hbm, gate_hbm, gidx_hbm,
                   sc_v, eid_v, gate_v, gidx_v):
    wid = lax.axis_index("s") * _NC + lax.axis_index("c")
    base = wid * _TPW
    pltpu.sync_copy(scores_hbm.at[pl.ds(base * 128, _TPW * 128)], sc_v)
    lanes = lax.iota(jnp.int32, _L)
    zero = jnp.zeros((_L,), jnp.int32)
    for b in range(_TPW // _L):
        toks = lanes + (b * _L)
        rowoff = toks * 128
        bv = jnp.full((_L,), _NEG, jnp.float32)
        bi = zero
        for j in range(_G):
            v = plsc.load_gather(sc_v, [rowoff + j])
            upd = v > bv
            bv = jnp.where(upd, v, bv)
            bi = jnp.where(upd, zero + j, bi)
        v1 = jnp.full((_L,), _NEG, jnp.float32)
        v2 = jnp.full((_L,), _NEG, jnp.float32)
        i1 = zero
        i2 = zero
        for m in range(_M):
            v = plsc.load_gather(sc_v, [rowoff + (bi * _M + (_G + m))])
            gt1 = v > v1
            gt2 = v > v2
            mv = zero + m
            nv2 = jnp.where(gt1, v1, jnp.where(gt2, v, v2))
            ni2 = jnp.where(gt1, i1, jnp.where(gt2, mv, i2))
            v1 = jnp.where(gt1, v, v1)
            i1 = jnp.where(gt1, mv, i1)
            v2 = nv2
            i2 = ni2
        t = jnp.exp(v2 - v1)
        g2 = t / (1.0 + t)
        g1 = 1.0 - g2
        plsc.store_scatter(eid_v, [toks * 2], bi * _M + i1)
        plsc.store_scatter(eid_v, [toks * 2 + 1], bi * _M + i2)
        plsc.store_scatter(gate_v, [toks * 2], g1)
        plsc.store_scatter(gate_v, [toks * 2 + 1], g2)
        gidx_v[pl.ds(b * _L, _L)] = bi
    pltpu.sync_copy(eid_v, eid_hbm.at[pl.ds(base * 2, _TPW * 2)])
    pltpu.sync_copy(gate_v, gate_hbm.at[pl.ds(base * 2, _TPW * 2)])
    pltpu.sync_copy(gidx_v, gidx_hbm.at[pl.ds(base, _TPW)])


def _expert_body(h_ref, w1_ref, w2_ref, eid_ref, gate_ref, out_ref):
    tmp = jnp.dot(h_ref[...], w1_ref[...], preferred_element_type=jnp.float32)
    tmp = jnp.maximum(tmp, 0.0)
    e1 = eid_ref[:, 0:1]
    e2 = eid_ref[:, 1:2]
    g1 = gate_ref[:, 0:1]
    g2 = gate_ref[:, 1:2]
    elane = lax.broadcasted_iota(jnp.int32, tmp.shape, 1) // _R
    wexp = jnp.where(elane == e1, g1, 0.0) + jnp.where(elane == e2, g2, 0.0)
    out_ref[...] = jnp.dot(tmp * wexp, w2_ref[...],
                           preferred_element_type=jnp.float32)


def kernel(h, k, Wg, bg, local_router, W1, W2):
    f32 = jnp.float32
    wcat = jnp.zeros((_D, 128), f32)
    wcat = wcat.at[:, :_G].set(Wg.T)
    wcat = wcat.at[:, _G:_G + _G * _M].set(
        local_router.transpose(1, 0, 2).reshape(_D, _G * _M))
    bias = jnp.zeros((8, 128), f32).at[0, :_G].set(bg)
    w1t = W1.transpose(1, 0, 2).reshape(_D, _E * _R)
    w2f = W2.reshape(_E * _R, _D)

    grid = _N // _TILE
    scores = pl.pallas_call(
        _score_body,
        grid=(grid,),
        in_specs=[
            pl.BlockSpec((_TILE, _D), lambda i: (i, 0)),
            pl.BlockSpec((_D, 128), lambda i: (0, 0)),
            pl.BlockSpec((8, 128), lambda i: (0, 0)),
        ],
        out_specs=pl.BlockSpec((_TILE, 128), lambda i: (i, 0)),
        out_shape=jax.ShapeDtypeStruct((_N, 128), f32),
    )(h, wcat, bias)

    sc_route = pl.kernel(
        _sc_route_body,
        out_type=[
            jax.ShapeDtypeStruct((_N * 2,), jnp.int32),
            jax.ShapeDtypeStruct((_N * 2,), f32),
            jax.ShapeDtypeStruct((_N,), jnp.int32),
        ],
        mesh=plsc.VectorSubcoreMesh(core_axis_name="c", subcore_axis_name="s",
                                    num_cores=_NC, num_subcores=_NS),
        scratch_types=[
            pltpu.VMEM((_TPW * 128,), f32),
            pltpu.VMEM((_TPW * 2,), jnp.int32),
            pltpu.VMEM((_TPW * 2,), f32),
            pltpu.VMEM((_TPW,), jnp.int32),
        ],
        compiler_params=pltpu.CompilerParams(needs_layout_passes=False),
    )
    eid_flat, gate_flat, gidx = sc_route(scores.reshape(_N * 128))
    eid = eid_flat.reshape(_N, 2)
    gate = gate_flat.reshape(_N, 2)

    out = pl.pallas_call(
        _expert_body,
        grid=(grid,),
        in_specs=[
            pl.BlockSpec((_TILE, _D), lambda i: (i, 0)),
            pl.BlockSpec((_D, _E * _R), lambda i: (0, 0)),
            pl.BlockSpec((_E * _R, _D), lambda i: (0, 0)),
            pl.BlockSpec((_TILE, 2), lambda i: (i, 0)),
            pl.BlockSpec((_TILE, 2), lambda i: (i, 0)),
        ],
        out_specs=pl.BlockSpec((_TILE, _D), lambda i: (i, 0)),
        out_shape=jax.ShapeDtypeStruct((_N, _D), f32),
    )(h, w1t, w2f, eid, gate)

    gate = gate + (jnp.asarray(k, gate.dtype) - 2.0)
    return out, eid, gate, gidx

# --- scband reference (transcript-rebuilt; emitter-appended) ---
"""Pipeline reference for scband-hierarchical-sparse-expert-layer-89197880804001 (READ-ONLY COPY).

The authoritative reference and input builder live on the scoring server;
editing this copy changes nothing except your own understanding.
"""

import jax, jax.numpy as jnp
import numpy as np

N = 2048
D = 1024
E = 64
R = 16
M = 8
G = E // M


def setup_inputs(seed: int = 0) -> dict:
    key = jax.random.key(seed)
    ks = jax.random.split(key, 6)
    h = jax.random.normal(ks[0], (N, D), dtype=jnp.float32)
    Wg = jax.random.normal(ks[1], (G, D), dtype=jnp.float32) * 0.02
    bg = jnp.zeros((G,), dtype=jnp.float32)
    local_router = jax.random.normal(ks[2], (G, D, M), dtype=jnp.float32) * 0.02
    W1 = jax.random.normal(ks[3], (E, D, R), dtype=jnp.float32) * 0.02
    W2 = jax.random.normal(ks[4], (E, R, D), dtype=jnp.float32) * 0.02
    return {"h": h, "k": 2, "Wg": Wg, "bg": bg, "local_router": local_router, "W1": W1, "W2": W2}


def reference(h, k, Wg, bg, local_router, W1, W2):
    # router_temp=1.0, router_noise=0.0, stochastic path disabled (noise==0)
    router_temp = 1.0
    Mloc = local_router.shape[2]
    k_static = 2
    # stage 1: group routing
    g_scores = h @ Wg.T + bg                      # (N, G)
    g_topv, g_topi = jax.lax.top_k(g_scores, 1)
    group_idx = g_topi[:, 0]                      # (N,)
    # stage 2: within-group routing
    Wloc = local_router[group_idx]                # (N, D, M) gather
    local_scores = jnp.einsum('nd,ndm->nm', h, Wloc)  # (N, M)
    topv, topm = jax.lax.top_k(local_scores, k_static)   # (N, k)
    gate = jax.nn.softmax(topv / max(router_temp, 1e-06), axis=-1)
    gate = gate + (jnp.asarray(k, dtype=gate.dtype) - k_static)
    expert_ids = group_idx[:, None] * Mloc + topm  # (N, k)
    # expert computation (low-rank)
    W1_sel = W1[expert_ids]                       # (N, k, D, R) gather
    W2_sel = W2[expert_ids]                       # (N, k, R, D) gather
    tmp = jnp.einsum('nd,nkdr->nkr', h, W1_sel)
    tmp = jax.nn.relu(tmp)
    out_k = jnp.einsum('nkr,nkrd->nkd', tmp, W2_sel)
    out = (gate[..., None] * out_k).sum(axis=1)
    return (out, expert_ids, gate, group_idx)

if __name__ == "__main__":
    import jax
    _d = setup_inputs()
    print(jax.jit(kernel)(*tuple(_d.values())))

</pallas_src>

<mosaic_0001>
#map = affine_map<(d0, d1) -> (0)>
module attributes {stable_mosaic.version = 14 : i64} {
  func.func @_sc_route_body(%arg0: i32, %arg1: i32, %arg2: memref<262144xf32, #tpu.memory_space<hbm>>, %arg3: memref<4096xi32, #tpu.memory_space<hbm>>, %arg4: memref<4096xf32, #tpu.memory_space<hbm>>, %arg5: memref<2048xi32, #tpu.memory_space<hbm>>, %arg6: memref<8192xf32, #tpu.memory_space<vmem>>, %arg7: memref<128xi32, #tpu.memory_space<vmem>>, %arg8: memref<128xf32, #tpu.memory_space<vmem>>, %arg9: memref<64xi32, #tpu.memory_space<vmem>>) attributes {dimension_semantics = [#tpu.dimension_semantics<core_parallel>, #tpu.dimension_semantics<subcore_parallel>], iteration_bounds = array<i64: 2, 16>, scalar_prefetch = 0 : i64, scratch_operands = 4 : i64, tpu.core_type = #tpu.core_type<sc_vector_subcore>, window_params = [{transform_indices = #map}, {transform_indices = #map}, {transform_indices = #map}, {transform_indices = #map}]} {
    %mul3A = arith.constant 2 : i32
    %mul3A_0 = arith.muli %arg1, %mul3A : i32
    %add3A = arith.addi %mul3A_0, %arg0 : i32
    %mul3A_1 = arith.constant 64 : i32
    %mul3A_2 = arith.muli %add3A, %mul3A_1 : i32
    %mul3A_3 = arith.constant 128 : i32
    %mul3A_4 = arith.muli %mul3A_2, %mul3A_3 : i32
    "tpu.region"() ({
      %run_scoped3A = tpu.sem_alloc : memref<!tpu.dma_semaphore, #tpu.memory_space<semaphore_mem>>
      %dma_start3A = tpu.memref_slice %arg2[%mul3A_4] : memref<262144xf32, #tpu.memory_space<hbm>> -> memref<8192xf32, #tpu.memory_space<hbm>>
      %dma_start3A_1127 = tpu.memref_slice %arg2[%mul3A_4] : memref<262144xf32, #tpu.memory_space<hbm>> -> memref<8192xf32, #tpu.memory_space<hbm>>
      tpu.enqueue_dma source(%dma_start3A_1127 : memref<8192xf32, #tpu.memory_space<hbm>>) target(%arg6 : memref<8192xf32, #tpu.memory_space<vmem>>) target_semaphore(%run_scoped3A : memref<!tpu.dma_semaphore, #tpu.memory_space<semaphore_mem>>)
      %dma_wait3A = tpu.memref_slice %arg2[%mul3A_4] : memref<262144xf32, #tpu.memory_space<hbm>> -> memref<8192xf32, #tpu.memory_space<hbm>>
      %dma_wait3A_1128 = tpu.memref_slice %arg2[%mul3A_4] : memref<262144xf32, #tpu.memory_space<hbm>> -> memref<8192xf32, #tpu.memory_space<hbm>>
      tpu.wait_dma2 semaphore(%run_scoped3A : memref<!tpu.dma_semaphore, #tpu.memory_space<semaphore_mem>>) src(%dma_wait3A_1128 : memref<8192xf32, #tpu.memory_space<hbm>>) dst(%arg6 : memref<8192xf32, #tpu.memory_space<vmem>>)
      tpu.yield
    }) : () -> ()
    %iota3A = tpu.iota {dimensions = array<i32: 0>} : vector<16xi32>
    %broadcast_in_dim3A = arith.constant 0 : i32
    %broadcast_in_dim3A_5 = vector.broadcast %broadcast_in_dim3A : i32 to vector<16xi32>
    %add3A_6 = arith.constant 0 : i32
    %add3A_7 = vector.broadcast %add3A_6 : i32 to vector<16xi32>
    %add3A_8 = arith.addi %iota3A, %add3A_7 : vector<16xi32>
    %mul3A_9 = arith.constant 128 : i32
    %mul3A_10 = vector.broadcast %mul3A_9 : i32 to vector<16xi32>
    %mul3A_11 = arith.muli %add3A_8, %mul3A_10 : vector<16xi32>
    %broadcast_in_dim3A_12 = arith.constant -1.000000e+30 : f32
    %broadcast_in_dim3A_13 = vector.broadcast %broadcast_in_dim3A_12 : f32 to vector<16xf32>
    %add3A_14 = arith.constant 0 : i32
    %add3A_15 = vector.broadcast %add3A_14 : i32 to vector<16xi32>
    %add3A_16 = arith.addi %mul3A_11, %add3A_15 : vector<16xi32>
    %gather3A = tpu.vector_load_idx %arg6[%add3A_16] : memref<8192xf32, #tpu.memory_space<vmem>>[vector<16xi32>], vector<16xf32>,
    %gt3A = arith.cmpf ogt, %gather3A, %broadcast_in_dim3A_13 : vector<16xf32>
    %select_n3A = arith.select %gt3A, %gather3A, %broadcast_in_dim3A_13 : vector<16xi1>, vector<16xf32>
    %add3A_17 = arith.constant 0 : i32
    %add3A_18 = vector.broadcast %add3A_17 : i32 to vector<16xi32>
    %add3A_19 = arith.addi %broadcast_in_dim3A_5, %add3A_18 : vector<16xi32>
    %select_n3A_20 = arith.select %gt3A, %add3A_19, %broadcast_in_dim3A_5 : vector<16xi1>, vector<16xi32>
    %add3A_21 = arith.constant 1 : i32
    %add3A_22 = vector.broadcast %add3A_21 : i32 to vector<16xi32>
    %add3A_23 = arith.addi %mul3A_11, %add3A_22 : vector<16xi32>
    %gather3A_24 = tpu.vector_load_idx %arg6[%add3A_23] : memref<8192xf32, #tpu.memory_space<vmem>>[vector<16xi32>], vector<16xf32>,
    %gt3A_25 = arith.cmpf ogt, %gather3A_24, %select_n3A : vector<16xf32>
    %select_n3A_26 = arith.select %gt3A_25, %gather3A_24, %select_n3A : vector<16xi1>, vector<16xf32>
    %add3A_27 = arith.constant 1 : i32
    %add3A_28 = vector.broadcast %add3A_27 : i32 to vector<16xi32>
    %add3A_29 = arith.addi %broadcast_in_dim3A_5, %add3A_28 : vector<16xi32>
    %select_n3A_30 = arith.select %gt3A_25, %add3A_29, %select_n3A_20 : vector<16xi1>, vector<16xi32>
    %add3A_31 = arith.constant 2 : i32
    %add3A_32 = vector.broadcast %add3A_31 : i32 to vector<16xi32>
    %add3A_33 = arith.addi %mul3A_11, %add3A_32 : vector<16xi32>
    %gather3A_34 = tpu.vector_load_idx %arg6[%add3A_33] : memref<8192xf32, #tpu.memory_space<vmem>>[vector<16xi32>], vector<16xf32>,
    %gt3A_35 = arith.cmpf ogt, %gather3A_34, %select_n3A_26 : vector<16xf32>
    %select_n3A_36 = arith.select %gt3A_35, %gather3A_34, %select_n3A_26 : vector<16xi1>, vector<16xf32>
    %add3A_37 = arith.constant 2 : i32
    %add3A_38 = vector.broadcast %add3A_37 : i32 to vector<16xi32>
    %add3A_39 = arith.addi %broadcast_in_dim3A_5, %add3A_38 : vector<16xi32>
    %select_n3A_40 = arith.select %gt3A_35, %add3A_39, %select_n3A_30 : vector<16xi1>, vector<16xi32>
    %add3A_41 = arith.constant 3 : i32
    %add3A_42 = vector.broadcast %add3A_41 : i32 to vector<16xi32>
    %add3A_43 = arith.addi %mul3A_11, %add3A_42 : vector<16xi32>
    %gather3A_44 = tpu.vector_load_idx %arg6[%add3A_43] : memref<8192xf32, #tpu.memory_space<vmem>>[vector<16xi32>], vector<16xf32>,
    %gt3A_45 = arith.cmpf ogt, %gather3A_44, %select_n3A_36 : vector<16xf32>
    %select_n3A_46 = arith.select %gt3A_45, %gather3A_44, %select_n3A_36 : vector<16xi1>, vector<16xf32>
    %add3A_47 = arith.constant 3 : i32
    %add3A_48 = vector.broadcast %add3A_47 : i32 to vector<16xi32>
    %add3A_49 = arith.addi %broadcast_in_dim3A_5, %add3A_48 : vector<16xi32>
    %select_n3A_50 = arith.select %gt3A_45, %add3A_49, %select_n3A_40 : vector<16xi1>, vector<16xi32>
    %add3A_51 = arith.constant 4 : i32
    %add3A_52 = vector.broadcast %add3A_51 : i32 to vector<16xi32>
    %add3A_53 = arith.addi %mul3A_11, %add3A_52 : vector<16xi32>
    %gather3A_54 = tpu.vector_load_idx %arg6[%add3A_53] : memref<8192xf32, #tpu.memory_space<vmem>>[vector<16xi32>], vector<16xf32>,
    %gt3A_55 = arith.cmpf ogt, %gather3A_54, %select_n3A_46 : vector<16xf32>
    %select_n3A_56 = arith.select %gt3A_55, %gather3A_54, %select_n3A_46 : vector<16xi1>, vector<16xf32>
    %add3A_57 = arith.constant 4 : i32
    %add3A_58 = vector.broadcast %add3A_57 : i32 to vector<16xi32>
    %add3A_59 = arith.addi %broadcast_in_dim3A_5, %add3A_58 : vector<16xi32>
    %select_n3A_60 = arith.select %gt3A_55, %add3A_59, %select_n3A_50 : vector<16xi1>, vector<16xi32>
    %add3A_61 = arith.constant 5 : i32
    %add3A_62 = vector.broadcast %add3A_61 : i32 to vector<16xi32>
    %add3A_63 = arith.addi %mul3A_11, %add3A_62 : vector<16xi32>
    %gather3A_64 = tpu.vector_load_idx %arg6[%add3A_63] : memref<8192xf32, #tpu.memory_space<vmem>>[vector<16xi32>], vector<16xf32>,
    %gt3A_65 = arith.cmpf ogt, %gather3A_64, %select_n3A_56 : vector<16xf32>
    %select_n3A_66 = arith.select %gt3A_65, %gather3A_64, %select_n3A_56 : vector<16xi1>, vector<16xf32>
    %add3A_67 = arith.constant 5 : i32
    %add3A_68 = vector.broadcast %add3A_67 : i32 to vector<16xi32>
    %add3A_69 = arith.addi %broadcast_in_dim3A_5, %add3A_68 : vector<16xi32>
    %select_n3A_70 = arith.select %gt3A_65, %add3A_69, %select_n3A_60 : vector<16xi1>, vector<16xi32>
    %add3A_71 = arith.constant 6 : i32
    %add3A_72 = vector.broadcast %add3A_71 : i32 to vector<16xi32>
    %add3A_73 = arith.addi %mul3A_11, %add3A_72 : vector<16xi32>
    %gather3A_74 = tpu.vector_load_idx %arg6[%add3A_73] : memref<8192xf32, #tpu.memory_space<vmem>>[vector<16xi32>], vector<16xf32>,
    %gt3A_75 = arith.cmpf ogt, %gather3A_74, %select_n3A_66 : vector<16xf32>
    %select_n3A_76 = arith.select %gt3A_75, %gather3A_74, %select_n3A_66 : vector<16xi1>, vector<16xf32>
    %add3A_77 = arith.constant 6 : i32
    %add3A_78 = vector.broadcast %add3A_77 : i32 to vector<16xi32>
    %add3A_79 = arith.addi %broadcast_in_dim3A_5, %add3A_78 : vector<16xi32>
    %select_n3A_80 = arith.select %gt3A_75, %add3A_79, %select_n3A_70 : vector<16xi1>, vector<16xi32>
    %add3A_81 = arith.constant 7 : i32
    %add3A_82 = vector.broadcast %add3A_81 : i32 to vector<16xi32>
    %add3A_83 = arith.addi %mul3A_11, %add3A_82 : vector<16xi32>
    %gather3A_84 = tpu.vector_load_idx %arg6[%add3A_83] : memref<8192xf32, #tpu.memory_space<vmem>>[vector<16xi32>], vector<16xf32>,
    %gt3A_85 = arith.cmpf ogt, %gather3A_84, %select_n3A_76 : vector<16xf32>
    %select_n3A_86 = arith.select %gt3A_85, %gather3A_84, %select_n3A_76 : vector<16xi1>, vector<16xf32>
    %add3A_87 = arith.constant 7 : i32
    %add3A_88 = vector.broadcast %add3A_87 : i32 to vector<16xi32>
    %add3A_89 = arith.addi %broadcast_in_dim3A_5, %add3A_88 : vector<16xi32>
    %select_n3A_90 = arith.select %gt3A_85, %add3A_89, %select_n3A_80 : vector<16xi1>, vector<16xi32>
    %broadcast_in_dim3A_91 = arith.constant -1.000000e+30 : f32
    %broadcast_in_dim3A_92 = vector.broadcast %broadcast_in_dim3A_91 : f32 to vector<16xf32>
    %broadcast_in_dim3A_93 = arith.constant -1.000000e+30 : f32
    %broadcast_in_dim3A_94 = vector.broadcast %broadcast_in_dim3A_93 : f32 to vector<16xf32>
    %mul3A_95 = arith.constant 8 : i32
    %mul3A_96 = vector.broadcast %mul3A_95 : i32 to vector<16xi32>
    %mul3A_97 = arith.muli %select_n3A_90, %mul3A_96 : vector<16xi32>
    %add3A_98 = arith.constant 8 : i32
    %add3A_99 = vector.broadcast %add3A_98 : i32 to vector<16xi32>
    %add3A_100 = arith.addi %mul3A_97, %add3A_99 : vector<16xi32>
    %add3A_101 = arith.addi %mul3A_11, %add3A_100 : vector<16xi32>
    %gather3A_102 = tpu.vector_load_idx %arg6[%add3A_101] : memref<8192xf32, #tpu.memory_space<vmem>>[vector<16xi32>], vector<16xf32>,
    %gt3A_103 = arith.cmpf ogt, %gather3A_102, %broadcast_in_dim3A_92 : vector<16xf32>
    %gt3A_104 = arith.cmpf ogt, %gather3A_102, %broadcast_in_dim3A_94 : vector<16xf32>
    %add3A_105 = arith.constant 0 : i32
    %add3A_106 = vector.broadcast %add3A_105 : i32 to vector<16xi32>
    %add3A_107 = arith.addi %broadcast_in_dim3A_5, %add3A_106 : vector<16xi32>
    %select_n3A_108 = arith.select %gt3A_104, %gather3A_102, %broadcast_in_dim3A_94 : vector<16xi1>, vector<16xf32>
    %select_n3A_109 = arith.select %gt3A_103, %broadcast_in_dim3A_92, %select_n3A_108 : vector<16xi1>, vector<16xf32>
    %select_n3A_110 = arith.select %gt3A_104, %add3A_107, %broadcast_in_dim3A_5 : vector<16xi1>, vector<16xi32>
    %select_n3A_111 = arith.select %gt3A_103, %broadcast_in_dim3A_5, %select_n3A_110 : vector<16xi1>, vector<16xi32>
    %select_n3A_112 = arith.select %gt3A_103, %gather3A_102, %broadcast_in_dim3A_92 : vector<16xi1>, vector<16xf32>
    %select_n3A_113 = arith.select %gt3A_103, %add3A_107, %broadcast_in_dim3A_5 : vector<16xi1>, vector<16xi32>
    %mul3A_114 = arith.constant 8 : i32
    %mul3A_115 = vector.broadcast %mul3A_114 : i32 to vector<16xi32>
    %mul3A_116 = arith.muli %select_n3A_90, %mul3A_115 : vector<16xi32>
    %add3A_117 = arith.constant 9 : i32
    %add3A_118 = vector.broadcast %add3A_117 : i32 to vector<16xi32>
    %add3A_119 = arith.addi %mul3A_116, %add3A_118 : vector<16xi32>
    %add3A_120 = arith.addi %mul3A_11, %add3A_119 : vector<16xi32>
    %gather3A_121 = tpu.vector_load_idx %arg6[%add3A_120] : memref<8192xf32, #tpu.memory_space<vmem>>[vector<16xi32>], vector<16xf32>,
    %gt3A_122 = arith.cmpf ogt, %gather3A_121, %select_n3A_112 : vector<16xf32>
    %gt3A_123 = arith.cmpf ogt, %gather3A_121, %select_n3A_109 : vector<16xf32>
    %add3A_124 = arith.constant 1 : i32
    %add3A_125 = vector.broadcast %add3A_124 : i32 to vector<16xi32>
    %add3A_126 = arith.addi %broadcast_in_dim3A_5, %add3A_125 : vector<16xi32>
    %select_n3A_127 = arith.select %gt3A_123, %gather3A_121, %select_n3A_109 : vector<16xi1>, vector<16xf32>
    %select_n3A_128 = arith.select %gt3A_122, %select_n3A_112, %select_n3A_127 : vector<16xi1>, vector<16xf32>
    %select_n3A_129 = arith.select %gt3A_123, %add3A_126, %select_n3A_111 : vector<16xi1>, vector<16xi32>
    %select_n3A_130 = arith.select %gt3A_122, %select_n3A_113, %select_n3A_129 : vector<16xi1>, vector<16xi32>
    %select_n3A_131 = arith.select %gt3A_122, %gather3A_121, %select_n3A_112 : vector<16xi1>, vector<16xf32>
    %select_n3A_132 = arith.select %gt3A_122, %add3A_126, %select_n3A_113 : vector<16xi1>, vector<16xi32>
    %mul3A_133 = arith.constant 8 : i32
    %mul3A_134 = vector.broadcast %mul3A_133 : i32 to vector<16xi32>
    %mul3A_135 = arith.muli %select_n3A_90, %mul3A_134 : vector<16xi32>
    %add3A_136 = arith.constant 10 : i32
    %add3A_137 = vector.broadcast %add3A_136 : i32 to vector<16xi32>
    %add3A_138 = arith.addi %mul3A_135, %add3A_137 : vector<16xi32>
    %add3A_139 = arith.addi %mul3A_11, %add3A_138 : vector<16xi32>
    %gather3A_140 = tpu.vector_load_idx %arg6[%add3A_139] : memref<8192xf32, #tpu.memory_space<vmem>>[vector<16xi32>], vector<16xf32>,
    %gt3A_141 = arith.cmpf ogt, %gather3A_140, %select_n3A_131 : vector<16xf32>
    %gt3A_142 = arith.cmpf ogt, %gather3A_140, %select_n3A_128 : vector<16xf32>
    %add3A_143 = arith.constant 2 : i32
    %add3A_144 = vector.broadcast %add3A_143 : i32 to vector<16xi32>
    %add3A_145 = arith.addi %broadcast_in_dim3A_5, %add3A_144 : vector<16xi32>
    %select_n3A_146 = arith.select %gt3A_142, %gather3A_140, %select_n3A_128 : vector<16xi1>, vector<16xf32>
    %select_n3A_147 = arith.select %gt3A_141, %select_n3A_131, %select_n3A_146 : vector<16xi1>, vector<16xf32>
    %select_n3A_148 = arith.select %gt3A_142, %add3A_145, %select_n3A_130 : vector<16xi1>, vector<16xi32>
    %select_n3A_149 = arith.select %gt3A_141, %select_n3A_132, %select_n3A_148 : vector<16xi1>, vector<16xi32>
    %select_n3A_150 = arith.select %gt3A_141, %gather3A_140, %select_n3A_131 : vector<16xi1>, vector<16xf32>
    %select_n3A_151 = arith.select %gt3A_141, %add3A_145, %select_n3A_132 : vector<16xi1>, vector<16xi32>
    %mul3A_152 = arith.constant 8 : i32
    %mul3A_153 = vector.broadcast %mul3A_152 : i32 to vector<16xi32>
    %mul3A_154 = arith.muli %select_n3A_90, %mul3A_153 : vector<16xi32>
    %add3A_155 = arith.constant 11 : i32
    %add3A_156 = vector.broadcast %add3A_155 : i32 to vector<16xi32>
    %add3A_157 = arith.addi %mul3A_154, %add3A_156 : vector<16xi32>
    %add3A_158 = arith.addi %mul3A_11, %add3A_157 : vector<16xi32>
    %gather3A_159 = tpu.vector_load_idx %arg6[%add3A_158] : memref<8192xf32, #tpu.memory_space<vmem>>[vector<16xi32>], vector<16xf32>,
    %gt3A_160 = arith.cmpf ogt, %gather3A_159, %select_n3A_150 : vector<16xf32>
    %gt3A_161 = arith.cmpf ogt, %gather3A_159, %select_n3A_147 : vector<16xf32>
    %add3A_162 = arith.constant 3 : i32
    %add3A_163 = vector.broadcast %add3A_162 : i32 to vector<16xi32>
    %add3A_164 = arith.addi %broadcast_in_dim3A_5, %add3A_163 : vector<16xi32>
    %select_n3A_165 = arith.select %gt3A_161, %gather3A_159, %select_n3A_147 : vector<16xi1>, vector<16xf32>
    %select_n3A_166 = arith.select %gt3A_160, %select_n3A_150, %select_n3A_165 : vector<16xi1>, vector<16xf32>
    %select_n3A_167 = arith.select %gt3A_161, %add3A_164, %select_n3A_149 : vector<16xi1>, vector<16xi32>
    %select_n3A_168 = arith.select %gt3A_160, %select_n3A_151, %select_n3A_167 : vector<16xi1>, vector<16xi32>
    %select_n3A_169 = arith.select %gt3A_160, %gather3A_159, %select_n3A_150 : vector<16xi1>, vector<16xf32>
    %select_n3A_170 = arith.select %gt3A_160, %add3A_164, %select_n3A_151 : vector<16xi1>, vector<16xi32>
    %mul3A_171 = arith.constant 8 : i32
    %mul3A_172 = vector.broadcast %mul3A_171 : i32 to vector<16xi32>
    %mul3A_173 = arith.muli %select_n3A_90, %mul3A_172 : vector<16xi32>
    %add3A_174 = arith.constant 12 : i32
    %add3A_175 = vector.broadcast %add3A_174 : i32 to vector<16xi32>
    %add3A_176 = arith.addi %mul3A_173, %add3A_175 : vector<16xi32>
    %add3A_177 = arith.addi %mul3A_11, %add3A_176 : vector<16xi32>
    %gather3A_178 = tpu.vector_load_idx %arg6[%add3A_177] : memref<8192xf32, #tpu.memory_space<vmem>>[vector<16xi32>], vector<16xf32>,
    %gt3A_179 = arith.cmpf ogt, %gather3A_178, %select_n3A_169 : vector<16xf32>
    %gt3A_180 = arith.cmpf ogt, %gather3A_178, %select_n3A_166 : vector<16xf32>
    %add3A_181 = arith.constant 4 : i32
    %add3A_182 = vector.broadcast %add3A_181 : i32 to vector<16xi32>
    %add3A_183 = arith.addi %broadcast_in_dim3A_5, %add3A_182 : vector<16xi32>
    %select_n3A_184 = arith.select %gt3A_180, %gather3A_178, %select_n3A_166 : vector<16xi1>, vector<16xf32>
    %select_n3A_185 = arith.select %gt3A_179, %select_n3A_169, %select_n3A_184 : vector<16xi1>, vector<16xf32>
    %select_n3A_186 = arith.select %gt3A_180, %add3A_183, %select_n3A_168 : vector<16xi1>, vector<16xi32>
    %select_n3A_187 = arith.select %gt3A_179, %select_n3A_170, %select_n3A_186 : vector<16xi1>, vector<16xi32>
    %select_n3A_188 = arith.select %gt3A_179, %gather3A_178, %select_n3A_169 : vector<16xi1>, vector<16xf32>
    %select_n3A_189 = arith.select %gt3A_179, %add3A_183, %select_n3A_170 : vector<16xi1>, vector<16xi32>
    %mul3A_190 = arith.constant 8 : i32
    %mul3A_191 = vector.broadcast %mul3A_190 : i32 to vector<16xi32>
    %mul3A_192 = arith.muli %select_n3A_90, %mul3A_191 : vector<16xi32>
    %add3A_193 = arith.constant 13 : i32
    %add3A_194 = vector.broadcast %add3A_193 : i32 to vector<16xi32>
    %add3A_195 = arith.addi %mul3A_192, %add3A_194 : vector<16xi32>
    %add3A_196 = arith.addi %mul3A_11, %add3A_195 : vector<16xi32>
    %gather3A_197 = tpu.vector_load_idx %arg6[%add3A_196] : memref<8192xf32, #tpu.memory_space<vmem>>[vector<16xi32>], vector<16xf32>,
    %gt3A_198 = arith.cmpf ogt, %gather3A_197, %select_n3A_188 : vector<16xf32>
    %gt3A_199 = arith.cmpf ogt, %gather3A_197, %select_n3A_185 : vector<16xf32>
    %add3A_200 = arith.constant 5 : i32
    %add3A_201 = vector.broadcast %add3A_200 : i32 to vector<16xi32>
    %add3A_202 = arith.addi %broadcast_in_dim3A_5, %add3A_201 : vector<16xi32>
    %select_n3A_203 = arith.select %gt3A_199, %gather3A_197, %select_n3A_185 : vector<16xi1>, vector<16xf32>
    %select_n3A_204 = arith.select %gt3A_198, %select_n3A_188, %select_n3A_203 : vector<16xi1>, vector<16xf32>
    %select_n3A_205 = arith.select %gt3A_199, %add3A_202, %select_n3A_187 : vector<16xi1>, vector<16xi32>
    %select_n3A_206 = arith.select %gt3A_198, %select_n3A_189, %select_n3A_205 : vector<16xi1>, vector<16xi32>
    %select_n3A_207 = arith.select %gt3A_198, %gather3A_197, %select_n3A_188 : vector<16xi1>, vector<16xf32>
    %select_n3A_208 = arith.select %gt3A_198, %add3A_202, %select_n3A_189 : vector<16xi1>, vector<16xi32>
    %mul3A_209 = arith.constant 8 : i32
    %mul3A_210 = vector.broadcast %mul3A_209 : i32 to vector<16xi32>
    %mul3A_211 = arith.muli %select_n3A_90, %mul3A_210 : vector<16xi32>
    %add3A_212 = arith.constant 14 : i32
    %add3A_213 = vector.broadcast %add3A_212 : i32 to vector<16xi32>
    %add3A_214 = arith.addi %mul3A_211, %add3A_213 : vector<16xi32>
    %add3A_215 = arith.addi %mul3A_11, %add3A_214 : vector<16xi32>
    %gather3A_216 = tpu.vector_load_idx %arg6[%add3A_215] : memref<8192xf32, #tpu.memory_space<vmem>>[vector<16xi32>], vector<16xf32>,
    %gt3A_217 = arith.cmpf ogt, %gather3A_216, %select_n3A_207 : vector<16xf32>
    %gt3A_218 = arith.cmpf ogt, %gather3A_216, %select_n3A_204 : vector<16xf32>
    %add3A_219 = arith.constant 6 : i32
    %add3A_220 = vector.broadcast %add3A_219 : i32 to vector<16xi32>
    %add3A_221 = arith.addi %broadcast_in_dim3A_5, %add3A_220 : vector<16xi32>
    %select_n3A_222 = arith.select %gt3A_218, %gather3A_216, %select_n3A_204 : vector<16xi1>, vector<16xf32>
    %select_n3A_223 = arith.select %gt3A_217, %select_n3A_207, %select_n3A_222 : vector<16xi1>, vector<16xf32>
    %select_n3A_224 = arith.select %gt3A_218, %add3A_221, %select_n3A_206 : vector<16xi1>, vector<16xi32>
    %select_n3A_225 = arith.select %gt3A_217, %select_n3A_208, %select_n3A_224 : vector<16xi1>, vector<16xi32>
    %select_n3A_226 = arith.select %gt3A_217, %gather3A_216, %select_n3A_207 : vector<16xi1>, vector<16xf32>
    %select_n3A_227 = arith.select %gt3A_217, %add3A_221, %select_n3A_208 : vector<16xi1>, vector<16xi32>
    %mul3A_228 = arith.constant 8 : i32
    %mul3A_229 = vector.broadcast %mul3A_228 : i32 to vector<16xi32>
    %mul3A_230 = arith.muli %select_n3A_90, %mul3A_229 : vector<16xi32>
    %add3A_231 = arith.constant 15 : i32
    %add3A_232 = vector.broadcast %add3A_231 : i32 to vector<16xi32>
    %add3A_233 = arith.addi %mul3A_230, %add3A_232 : vector<16xi32>
    %add3A_234 = arith.addi %mul3A_11, %add3A_233 : vector<16xi32>
    %gather3A_235 = tpu.vector_load_idx %arg6[%add3A_234] : memref<8192xf32, #tpu.memory_space<vmem>>[vector<16xi32>], vector<16xf32>,
    %gt3A_236 = arith.cmpf ogt, %gather3A_235, %select_n3A_226 : vector<16xf32>
    %gt3A_237 = arith.cmpf ogt, %gather3A_235, %select_n3A_223 : vector<16xf32>
    %add3A_238 = arith.constant 7 : i32
    %add3A_239 = vector.broadcast %add3A_238 : i32 to vector<16xi32>
    %add3A_240 = arith.addi %broadcast_in_dim3A_5, %add3A_239 : vector<16xi32>
    %select_n3A_241 = arith.select %gt3A_237, %gather3A_235, %select_n3A_223 : vector<16xi1>, vector<16xf32>
    %select_n3A_242 = arith.select %gt3A_236, %select_n3A_226, %select_n3A_241 : vector<16xi1>, vector<16xf32>
    %select_n3A_243 = arith.select %gt3A_237, %add3A_240, %select_n3A_225 : vector<16xi1>, vector<16xi32>
    %select_n3A_244 = arith.select %gt3A_236, %select_n3A_227, %select_n3A_243 : vector<16xi1>, vector<16xi32>
    %select_n3A_245 = arith.select %gt3A_236, %gather3A_235, %select_n3A_226 : vector<16xi1>, vector<16xf32>
    %select_n3A_246 = arith.select %gt3A_236, %add3A_240, %select_n3A_227 : vector<16xi1>, vector<16xi32>
    %sub3A = arith.subf %select_n3A_242, %select_n3A_245 : vector<16xf32>
    %exp3A = math.exp %sub3A : vector<16xf32>
    %add3A_247 = arith.constant 1.000000e+00 : f32
    %add3A_248 = vector.broadcast %add3A_247 : f32 to vector<16xf32>
    %add3A_249 = arith.addf %add3A_248, %exp3A : vector<16xf32>
    %div3A = arith.divf %exp3A, %add3A_249 : vector<16xf32>
    %sub3A_250 = arith.constant 1.000000e+00 : f32
    %sub3A_251 = vector.broadcast %sub3A_250 : f32 to vector<16xf32>
    %sub3A_252 = arith.subf %sub3A_251, %div3A : vector<16xf32>
    %mul3A_253 = arith.constant 2 : i32
    %mul3A_254 = vector.broadcast %mul3A_253 : i32 to vector<16xi32>
    %mul3A_255 = arith.muli %add3A_8, %mul3A_254 : vector<16xi32>
    %mul3A_256 = arith.constant 8 : i32
    %mul3A_257 = vector.broadcast %mul3A_256 : i32 to vector<16xi32>
    %mul3A_258 = arith.muli %select_n3A_90, %mul3A_257 : vector<16xi32>
    %add3A_259 = arith.addi %mul3A_258, %select_n3A_246 : vector<16xi32>
    tpu.vector_store_idx %arg7[%mul3A_255], %add3A_259 : memref<128xi32, #tpu.memory_space<vmem>>[vector<16xi32>], vector<16xi32>,
    %mul3A_260 = arith.constant 2 : i32
    %mul3A_261 = vector.broadcast %mul3A_260 : i32 to vector<16xi32>
    %mul3A_262 = arith.muli %add3A_8, %mul3A_261 : vector<16xi32>
    %add3A_263 = arith.constant 1 : i32
    %add3A_264 = vector.broadcast %add3A_263 : i32 to vector<16xi32>
    %add3A_265 = arith.addi %mul3A_262, %add3A_264 : vector<16xi32>
    %mul3A_266 = arith.constant 8 : i32
    %mul3A_267 = vector.broadcast %mul3A_266 : i32 to vector<16xi32>
    %mul3A_268 = arith.muli %select_n3A_90, %mul3A_267 : vector<16xi32>
    %add3A_269 = arith.addi %mul3A_268, %select_n3A_244 : vector<16xi32>
    tpu.vector_store_idx %arg7[%add3A_265], %add3A_269 : memref<128xi32, #tpu.memory_space<vmem>>[vector<16xi32>], vector<16xi32>,
    %mul3A_270 = arith.constant 2 : i32
    %mul3A_271 = vector.broadcast %mul3A_270 : i32 to vector<16xi32>
    %mul3A_272 = arith.muli %add3A_8, %mul3A_271 : vector<16xi32>
    tpu.vector_store_idx %arg8[%mul3A_272], %sub3A_252 : memref<128xf32, #tpu.memory_space<vmem>>[vector<16xi32>], vector<16xf32>,
    %mul3A_273 = arith.constant 2 : i32
    %mul3A_274 = vector.broadcast %mul3A_273 : i32 to vector<16xi32>
    %mul3A_275 = arith.muli %add3A_8, %mul3A_274 : vector<16xi32>
    %add3A_276 = arith.constant 1 : i32
    %add3A_277 = vector.broadcast %add3A_276 : i32 to vector<16xi32>
    %add3A_278 = arith.addi %mul3A_275, %add3A_277 : vector<16xi32>
    tpu.vector_store_idx %arg8[%add3A_278], %div3A : memref<128xf32, #tpu.memory_space<vmem>>[vector<16xi32>], vector<16xf32>,
    %swap3A = arith.constant 0 : index
    %swap3A_279 = tpu.vector_load %arg9[%swap3A] {strides = array<i32>} : memref<64xi32, #tpu.memory_space<vmem>>, vector<16xi32>,
    tpu.vector_store %arg9[%swap3A], %select_n3A_90 {strides = array<i32>} : memref<64xi32, #tpu.memory_space<vmem>>, vector<16xi32>,
    %add3A_280 = arith.constant 16 : i32
    %add3A_281 = vector.broadcast %add3A_280 : i32 to vector<16xi32>
    %add3A_282 = arith.addi %iota3A, %add3A_281 : vector<16xi32>
    %mul3A_283 = arith.constant 128 : i32
    %mul3A_284 = vector.broadcast %mul3A_283 : i32 to vector<16xi32>
    %mul3A_285 = arith.muli %add3A_282, %mul3A_284 : vector<16xi32>
    %broadcast_in_dim3A_286 = arith.constant -1.000000e+30 : f32
    %broadcast_in_dim3A_287 = vector.broadcast %broadcast_in_dim3A_286 : f32 to vector<16xf32>
    %add3A_288 = arith.constant 0 : i32
    %add3A_289 = vector.broadcast %add3A_288 : i32 to vector<16xi32>
    %add3A_290 = arith.addi %mul3A_285, %add3A_289 : vector<16xi32>
    %gather3A_291 = tpu.vector_load_idx %arg6[%add3A_290] : memref<8192xf32, #tpu.memory_space<vmem>>[vector<16xi32>], vector<16xf32>,
    %gt3A_292 = arith.cmpf ogt, %gather3A_291, %broadcast_in_dim3A_287 : vector<16xf32>
    %select_n3A_293 = arith.select %gt3A_292, %gather3A_291, %broadcast_in_dim3A_287 : vector<16xi1>, vector<16xf32>
    %add3A_294 = arith.constant 0 : i32
    %add3A_295 = vector.broadcast %add3A_294 : i32 to vector<16xi32>
    %add3A_296 = arith.addi %broadcast_in_dim3A_5, %add3A_295 : vector<16xi32>
    %select_n3A_297 = arith.select %gt3A_292, %add3A_296, %broadcast_in_dim3A_5 : vector<16xi1>, vector<16xi32>
    %add3A_298 = arith.constant 1 : i32
    %add3A_299 = vector.broadcast %add3A_298 : i32 to vector<16xi32>
    %add3A_300 = arith.addi %mul3A_285, %add3A_299 : vector<16xi32>
    %gather3A_301 = tpu.vector_load_idx %arg6[%add3A_300] : memref<8192xf32, #tpu.memory_space<vmem>>[vector<16xi32>], vector<16xf32>,
    %gt3A_302 = arith.cmpf ogt, %gather3A_301, %select_n3A_293 : vector<16xf32>
    %select_n3A_303 = arith.select %gt3A_302, %gather3A_301, %select_n3A_293 : vector<16xi1>, vector<16xf32>
    %add3A_304 = arith.constant 1 : i32
    %add3A_305 = vector.broadcast %add3A_304 : i32 to vector<16xi32>
    %add3A_306 = arith.addi %broadcast_in_dim3A_5, %add3A_305 : vector<16xi32>
    %select_n3A_307 = arith.select %gt3A_302, %add3A_306, %select_n3A_297 : vector<16xi1>, vector<16xi32>
    %add3A_308 = arith.constant 2 : i32
    %add3A_309 = vector.broadcast %add3A_308 : i32 to vector<16xi32>
    %add3A_310 = arith.addi %mul3A_285, %add3A_309 : vector<16xi32>
    %gather3A_311 = tpu.vector_load_idx %arg6[%add3A_310] : memref<8192xf32, #tpu.memory_space<vmem>>[vector<16xi32>], vector<16xf32>,
    %gt3A_312 = arith.cmpf ogt, %gather3A_311, %select_n3A_303 : vector<16xf32>
    %select_n3A_313 = arith.select %gt3A_312, %gather3A_311, %select_n3A_303 : vector<16xi1>, vector<16xf32>
    %add3A_314 = arith.constant 2 : i32
    %add3A_315 = vector.broadcast %add3A_314 : i32 to vector<16xi32>
    %add3A_316 = arith.addi %broadcast_in_dim3A_5, %add3A_315 : vector<16xi32>
    %select_n3A_317 = arith.select %gt3A_312, %add3A_316, %select_n3A_307 : vector<16xi1>, vector<16xi32>
    %add3A_318 = arith.constant 3 : i32
    %add3A_319 = vector.broadcast %add3A_318 : i32 to vector<16xi32>
    %add3A_320 = arith.addi %mul3A_285, %add3A_319 : vector<16xi32>
    %gather3A_321 = tpu.vector_load_idx %arg6[%add3A_320] : memref<8192xf32, #tpu.memory_space<vmem>>[vector<16xi32>], vector<16xf32>,
    %gt3A_322 = arith.cmpf ogt, %gather3A_321, %select_n3A_313 : vector<16xf32>
    %select_n3A_323 = arith.select %gt3A_322, %gather3A_321, %select_n3A_313 : vector<16xi1>, vector<16xf32>
    %add3A_324 = arith.constant 3 : i32
    %add3A_325 = vector.broadcast %add3A_324 : i32 to vector<16xi32>
    %add3A_326 = arith.addi %broadcast_in_dim3A_5, %add3A_325 : vector<16xi32>
    %select_n3A_327 = arith.select %gt3A_322, %add3A_326, %select_n3A_317 : vector<16xi1>, vector<16xi32>
    %add3A_328 = arith.constant 4 : i32
    %add3A_329 = vector.broadcast %add3A_328 : i32 to vector<16xi32>
    %add3A_330 = arith.addi %mul3A_285, %add3A_329 : vector<16xi32>
    %gather3A_331 = tpu.vector_load_idx %arg6[%add3A_330] : memref<8192xf32, #tpu.memory_space<vmem>>[vector<16xi32>], vector<16xf32>,
    %gt3A_332 = arith.cmpf ogt, %gather3A_331, %select_n3A_323 : vector<16xf32>
    %select_n3A_333 = arith.select %gt3A_332, %gather3A_331, %select_n3A_323 : vector<16xi1>, vector<16xf32>
    %add3A_334 = arith.constant 4 : i32
    %add3A_335 = vector.broadcast %add3A_334 : i32 to vector<16xi32>
    %add3A_336 = arith.addi %broadcast_in_dim3A_5, %add3A_335 : vector<16xi32>
    %select_n3A_337 = arith.select %gt3A_332, %add3A_336, %select_n3A_327 : vector<16xi1>, vector<16xi32>
    %add3A_338 = arith.constant 5 : i32
    %add3A_339 = vector.broadcast %add3A_338 : i32 to vector<16xi32>
    %add3A_340 = arith.addi %mul3A_285, %add3A_339 : vector<16xi32>
    %gather3A_341 = tpu.vector_load_idx %arg6[%add3A_340] : memref<8192xf32, #tpu.memory_space<vmem>>[vector<16xi32>], vector<16xf32>,
    %gt3A_342 = arith.cmpf ogt, %gather3A_341, %select_n3A_333 : vector<16xf32>
    %select_n3A_343 = arith.select %gt3A_342, %gather3A_341, %select_n3A_333 : vector<16xi1>, vector<16xf32>
    %add3A_344 = arith.constant 5 : i32
    %add3A_345 = vector.broadcast %add3A_344 : i32 to vector<16xi32>
    %add3A_346 = arith.addi %broadcast_in_dim3A_5, %add3A_345 : vector<16xi32>
    %select_n3A_347 = arith.select %gt3A_342, %add3A_346, %select_n3A_337 : vector<16xi1>, vector<16xi32>
    %add3A_348 = arith.constant 6 : i32
    %add3A_349 = vector.broadcast %add3A_348 : i32 to vector<16xi32>
    %add3A_350 = arith.addi %mul3A_285, %add3A_349 : vector<16xi32>
    %gather3A_351 = tpu.vector_load_idx %arg6[%add3A_350] : memref<8192xf32, #tpu.memory_space<vmem>>[vector<16xi32>], vector<16xf32>,
    %gt3A_352 = arith.cmpf ogt, %gather3A_351, %select_n3A_343 : vector<16xf32>
    %select_n3A_353 = arith.select %gt3A_352, %gather3A_351, %select_n3A_343 : vector<16xi1>, vector<16xf32>
    %add3A_354 = arith.constant 6 : i32
    %add3A_355 = vector.broadcast %add3A_354 : i32 to vector<16xi32>
    %add3A_356 = arith.addi %broadcast_in_dim3A_5, %add3A_355 : vector<16xi32>
    %select_n3A_357 = arith.select %gt3A_352, %add3A_356, %select_n3A_347 : vector<16xi1>, vector<16xi32>
    %add3A_358 = arith.constant 7 : i32
    %add3A_359 = vector.broadcast %add3A_358 : i32 to vector<16xi32>
    %add3A_360 = arith.addi %mul3A_285, %add3A_359 : vector<16xi32>
    %gather3A_361 = tpu.vector_load_idx %arg6[%add3A_360] : memref<8192xf32, #tpu.memory_space<vmem>>[vector<16xi32>], vector<16xf32>,
    %gt3A_362 = arith.cmpf ogt, %gather3A_361, %select_n3A_353 : vector<16xf32>
    %select_n3A_363 = arith.select %gt3A_362, %gather3A_361, %select_n3A_353 : vector<16xi1>, vector<16xf32>
    %add3A_364 = arith.constant 7 : i32
    %add3A_365 = vector.broadcast %add3A_364 : i32 to vector<16xi32>
    %add3A_366 = arith.addi %broadcast_in_dim3A_5, %add3A_365 : vector<16xi32>
    %select_n3A_367 = arith.select %gt3A_362, %add3A_366, %select_n3A_357 : vector<16xi1>, vector<16xi32>
    %broadcast_in_dim3A_368 = arith.constant -1.000000e+30 : f32
    %broadcast_in_dim3A_369 = vector.broadcast %broadcast_in_dim3A_368 : f32 to vector<16xf32>
    %broadcast_in_dim3A_370 = arith.constant -1.000000e+30 : f32
    %broadcast_in_dim3A_371 = vector.broadcast %broadcast_in_dim3A_370 : f32 to vector<16xf32>
    %mul3A_372 = arith.constant 8 : i32
    %mul3A_373 = vector.broadcast %mul3A_372 : i32 to vector<16xi32>
    %mul3A_374 = arith.muli %select_n3A_367, %mul3A_373 : vector<16xi32>
    %add3A_375 = arith.constant 8 : i32
    %add3A_376 = vector.broadcast %add3A_375 : i32 to vector<16xi32>
    %add3A_377 = arith.addi %mul3A_374, %add3A_376 : vector<16xi32>
    %add3A_378 = arith.addi %mul3A_285, %add3A_377 : vector<16xi32>
    %gather3A_379 = tpu.vector_load_idx %arg6[%add3A_378] : memref<8192xf32, #tpu.memory_space<vmem>>[vector<16xi32>], vector<16xf32>,
    %gt3A_380 = arith.cmpf ogt, %gather3A_379, %broadcast_in_dim3A_369 : vector<16xf32>
    %gt3A_381 = arith.cmpf ogt, %gather3A_379, %broadcast_in_dim3A_371 : vector<16xf32>
    %add3A_382 = arith.constant 0 : i32
    %add3A_383 = vector.broadcast %add3A_382 : i32 to vector<16xi32>
    %add3A_384 = arith.addi %broadcast_in_dim3A_5, %add3A_383 : vector<16xi32>
    %select_n3A_385 = arith.select %gt3A_381, %gather3A_379, %broadcast_in_dim3A_371 : vector<16xi1>, vector<16xf32>
    %select_n3A_386 = arith.select %gt3A_380, %broadcast_in_dim3A_369, %select_n3A_385 : vector<16xi1>, vector<16xf32>
    %select_n3A_387 = arith.select %gt3A_381, %add3A_384, %broadcast_in_dim3A_5 : vector<16xi1>, vector<16xi32>
    %select_n3A_388 = arith.select %gt3A_380, %broadcast_in_dim3A_5, %select_n3A_387 : vector<16xi1>, vector<16xi32>
    %select_n3A_389 = arith.select %gt3A_380, %gather3A_379, %broadcast_in_dim3A_369 : vector<16xi1>, vector<16xf32>
    %select_n3A_390 = arith.select %gt3A_380, %add3A_384, %broadcast_in_dim3A_5 : vector<16xi1>, vector<16xi32>
    %mul3A_391 = arith.constant 8 : i32
    %mul3A_392 = vector.broadcast %mul3A_391 : i32 to vector<16xi32>
    %mul3A_393 = arith.muli %select_n3A_367, %mul3A_392 : vector<16xi32>
    %add3A_394 = arith.constant 9 : i32
    %add3A_395 = vector.broadcast %add3A_394 : i32 to vector<16xi32>
    %add3A_396 = arith.addi %mul3A_393, %add3A_395 : vector<16xi32>
    %add3A_397 = arith.addi %mul3A_285, %add3A_396 : vector<16xi32>
    %gather3A_398 = tpu.vector_load_idx %arg6[%add3A_397] : memref<8192xf32, #tpu.memory_space<vmem>>[vector<16xi32>], vector<16xf32>,
    %gt3A_399 = arith.cmpf ogt, %gather3A_398, %select_n3A_389 : vector<16xf32>
    %gt3A_400 = arith.cmpf ogt, %gather3A_398, %select_n3A_386 : vector<16xf32>
    %add3A_401 = arith.constant 1 : i32
    %add3A_402 = vector.broadcast %add3A_401 : i32 to vector<16xi32>
    %add3A_403 = arith.addi %broadcast_in_dim3A_5, %add3A_402 : vector<16xi32>
    %select_n3A_404 = arith.select %gt3A_400, %gather3A_398, %select_n3A_386 : vector<16xi1>, vector<16xf32>
    %select_n3A_405 = arith.select %gt3A_399, %select_n3A_389, %select_n3A_404 : vector<16xi1>, vector<16xf32>
    %select_n3A_406 = arith.select %gt3A_400, %add3A_403, %select_n3A_388 : vector<16xi1>, vector<16xi32>
    %select_n3A_407 = arith.select %gt3A_399, %select_n3A_390, %select_n3A_406 : vector<16xi1>, vector<16xi32>
    %select_n3A_408 = arith.select %gt3A_399, %gather3A_398, %select_n3A_389 : vector<16xi1>, vector<16xf32>
    %select_n3A_409 = arith.select %gt3A_399, %add3A_403, %select_n3A_390 : vector<16xi1>, vector<16xi32>
    %mul3A_410 = arith.constant 8 : i32
    %mul3A_411 = vector.broadcast %mul3A_410 : i32 to vector<16xi32>
    %mul3A_412 = arith.muli %select_n3A_367, %mul3A_411 : vector<16xi32>
    %add3A_413 = arith.constant 10 : i32
    %add3A_414 = vector.broadcast %add3A_413 : i32 to vector<16xi32>
    %add3A_415 = arith.addi %mul3A_412, %add3A_414 : vector<16xi32>
    %add3A_416 = arith.addi %mul3A_285, %add3A_415 : vector<16xi32>
    %gather3A_417 = tpu.vector_load_idx %arg6[%add3A_416] : memref<8192xf32, #tpu.memory_space<vmem>>[vector<16xi32>], vector<16xf32>,
    %gt3A_418 = arith.cmpf ogt, %gather3A_417, %select_n3A_408 : vector<16xf32>
    %gt3A_419 = arith.cmpf ogt, %gather3A_417, %select_n3A_405 : vector<16xf32>
    %add3A_420 = arith.constant 2 : i32
    %add3A_421 = vector.broadcast %add3A_420 : i32 to vector<16xi32>
    %add3A_422 = arith.addi %broadcast_in_dim3A_5, %add3A_421 : vector<16xi32>
    %select_n3A_423 = arith.select %gt3A_419, %gather3A_417, %select_n3A_405 : vector<16xi1>, vector<16xf32>
    %select_n3A_424 = arith.select %gt3A_418, %select_n3A_408, %select_n3A_423 : vector<16xi1>, vector<16xf32>
    %select_n3A_425 = arith.select %gt3A_419, %add3A_422, %select_n3A_407 : vector<16xi1>, vector<16xi32>
    %select_n3A_426 = arith.select %gt3A_418, %select_n3A_409, %select_n3A_425 : vector<16xi1>, vector<16xi32>
    %select_n3A_427 = arith.select %gt3A_418, %gather3A_417, %select_n3A_408 : vector<16xi1>, vector<16xf32>
    %select_n3A_428 = arith.select %gt3A_418, %add3A_422, %select_n3A_409 : vector<16xi1>, vector<16xi32>
    %mul3A_429 = arith.constant 8 : i32
    %mul3A_430 = vector.broadcast %mul3A_429 : i32 to vector<16xi32>
    %mul3A_431 = arith.muli %select_n3A_367, %mul3A_430 : vector<16xi32>
    %add3A_432 = arith.constant 11 : i32
    %add3A_433 = vector.broadcast %add3A_432 : i32 to vector<16xi32>
    %add3A_434 = arith.addi %mul3A_431, %add3A_433 : vector<16xi32>
    %add3A_435 = arith.addi %mul3A_285, %add3A_434 : vector<16xi32>
    %gather3A_436 = tpu.vector_load_idx %arg6[%add3A_435] : memref<8192xf32, #tpu.memory_space<vmem>>[vector<16xi32>], vector<16xf32>,
    %gt3A_437 = arith.cmpf ogt, %gather3A_436, %select_n3A_427 : vector<16xf32>
    %gt3A_438 = arith.cmpf ogt, %gather3A_436, %select_n3A_424 : vector<16xf32>
    %add3A_439 = arith.constant 3 : i32
    %add3A_440 = vector.broadcast %add3A_439 : i32 to vector<16xi32>
    %add3A_441 = arith.addi %broadcast_in_dim3A_5, %add3A_440 : vector<16xi32>
    %select_n3A_442 = arith.select %gt3A_438, %gather3A_436, %select_n3A_424 : vector<16xi1>, vector<16xf32>
    %select_n3A_443 = arith.select %gt3A_437, %select_n3A_427, %select_n3A_442 : vector<16xi1>, vector<16xf32>
    %select_n3A_444 = arith.select %gt3A_438, %add3A_441, %select_n3A_426 : vector<16xi1>, vector<16xi32>
    %select_n3A_445 = arith.select %gt3A_437, %select_n3A_428, %select_n3A_444 : vector<16xi1>, vector<16xi32>
    %select_n3A_446 = arith.select %gt3A_437, %gather3A_436, %select_n3A_427 : vector<16xi1>, vector<16xf32>
    %select_n3A_447 = arith.select %gt3A_437, %add3A_441, %select_n3A_428 : vector<16xi1>, vector<16xi32>
    %mul3A_448 = arith.constant 8 : i32
    %mul3A_449 = vector.broadcast %mul3A_448 : i32 to vector<16xi32>
    %mul3A_450 = arith.muli %select_n3A_367, %mul3A_449 : vector<16xi32>
    %add3A_451 = arith.constant 12 : i32
    %add3A_452 = vector.broadcast %add3A_451 : i32 to vector<16xi32>
    %add3A_453 = arith.addi %mul3A_450, %add3A_452 : vector<16xi32>
    %add3A_454 = arith.addi %mul3A_285, %add3A_453 : vector<16xi32>
    %gather3A_455 = tpu.vector_load_idx %arg6[%add3A_454] : memref<8192xf32, #tpu.memory_space<vmem>>[vector<16xi32>], vector<16xf32>,
    %gt3A_456 = arith.cmpf ogt, %gather3A_455, %select_n3A_446 : vector<16xf32>
    %gt3A_457 = arith.cmpf ogt, %gather3A_455, %select_n3A_443 : vector<16xf32>
    %add3A_458 = arith.constant 4 : i32
    %add3A_459 = vector.broadcast %add3A_458 : i32 to vector<16xi32>
    %add3A_460 = arith.addi %broadcast_in_dim3A_5, %add3A_459 : vector<16xi32>
    %select_n3A_461 = arith.select %gt3A_457, %gather3A_455, %select_n3A_443 : vector<16xi1>, vector<16xf32>
    %select_n3A_462 = arith.select %gt3A_456, %select_n3A_446, %select_n3A_461 : vector<16xi1>, vector<16xf32>
    %select_n3A_463 = arith.select %gt3A_457, %add3A_460, %select_n3A_445 : vector<16xi1>, vector<16xi32>
    %select_n3A_464 = arith.select %gt3A_456, %select_n3A_447, %select_n3A_463 : vector<16xi1>, vector<16xi32>
    %select_n3A_465 = arith.select %gt3A_456, %gather3A_455, %select_n3A_446 : vector<16xi1>, vector<16xf32>
    %select_n3A_466 = arith.select %gt3A_456, %add3A_460, %select_n3A_447 : vector<16xi1>, vector<16xi32>
    %mul3A_467 = arith.constant 8 : i32
    %mul3A_468 = vector.broadcast %mul3A_467 : i32 to vector<16xi32>
    %mul3A_469 = arith.muli %select_n3A_367, %mul3A_468 : vector<16xi32>
    %add3A_470 = arith.constant 13 : i32
    %add3A_471 = vector.broadcast %add3A_470 : i32 to vector<16xi32>
    %add3A_472 = arith.addi %mul3A_469, %add3A_471 : vector<16xi32>
    %add3A_473 = arith.addi %mul3A_285, %add3A_472 : vector<16xi32>
    %gather3A_474 = tpu.vector_load_idx %arg6[%add3A_473] : memref<8192xf32, #tpu.memory_space<vmem>>[vector<16xi32>], vector<16xf32>,
    %gt3A_475 = arith.cmpf ogt, %gather3A_474, %select_n3A_465 : vector<16xf32>
    %gt3A_476 = arith.cmpf ogt, %gather3A_474, %select_n3A_462 : vector<16xf32>
    %add3A_477 = arith.constant 5 : i32
    %add3A_478 = vector.broadcast %add3A_477 : i32 to vector<16xi32>
    %add3A_479 = arith.addi %broadcast_in_dim3A_5, %add3A_478 : vector<16xi32>
    %select_n3A_480 = arith.select %gt3A_476, %gather3A_474, %select_n3A_462 : vector<16xi1>, vector<16xf32>
    %select_n3A_481 = arith.select %gt3A_475, %select_n3A_465, %select_n3A_480 : vector<16xi1>, vector<16xf32>
    %select_n3A_482 = arith.select %gt3A_476, %add3A_479, %select_n3A_464 : vector<16xi1>, vector<16xi32>
    %select_n3A_483 = arith.select %gt3A_475, %select_n3A_466, %select_n3A_482 : vector<16xi1>, vector<16xi32>
    %select_n3A_484 = arith.select %gt3A_475, %gather3A_474, %select_n3A_465 : vector<16xi1>, vector<16xf32>
    %select_n3A_485 = arith.select %gt3A_475, %add3A_479, %select_n3A_466 : vector<16xi1>, vector<16xi32>
    %mul3A_486 = arith.constant 8 : i32
    %mul3A_487 = vector.broadcast %mul3A_486 : i32 to vector<16xi32>
    %mul3A_488 = arith.muli %select_n3A_367, %mul3A_487 : vector<16xi32>
    %add3A_489 = arith.constant 14 : i32
    %add3A_490 = vector.broadcast %add3A_489 : i32 to vector<16xi32>
    %add3A_491 = arith.addi %mul3A_488, %add3A_490 : vector<16xi32>
    %add3A_492 = arith.addi %mul3A_285, %add3A_491 : vector<16xi32>
    %gather3A_493 = tpu.vector_load_idx %arg6[%add3A_492] : memref<8192xf32, #tpu.memory_space<vmem>>[vector<16xi32>], vector<16xf32>,
    %gt3A_494 = arith.cmpf ogt, %gather3A_493, %select_n3A_484 : vector<16xf32>
    %gt3A_495 = arith.cmpf ogt, %gather3A_493, %select_n3A_481 : vector<16xf32>
    %add3A_496 = arith.constant 6 : i32
    %add3A_497 = vector.broadcast %add3A_496 : i32 to vector<16xi32>
    %add3A_498 = arith.addi %broadcast_in_dim3A_5, %add3A_497 : vector<16xi32>
    %select_n3A_499 = arith.select %gt3A_495, %gather3A_493, %select_n3A_481 : vector<16xi1>, vector<16xf32>
    %select_n3A_500 = arith.select %gt3A_494, %select_n3A_484, %select_n3A_499 : vector<16xi1>, vector<16xf32>
    %select_n3A_501 = arith.select %gt3A_495, %add3A_498, %select_n3A_483 : vector<16xi1>, vector<16xi32>
    %select_n3A_502 = arith.select %gt3A_494, %select_n3A_485, %select_n3A_501 : vector<16xi1>, vector<16xi32>
    %select_n3A_503 = arith.select %gt3A_494, %gather3A_493, %select_n3A_484 : vector<16xi1>, vector<16xf32>
    %select_n3A_504 = arith.select %gt3A_494, %add3A_498, %select_n3A_485 : vector<16xi1>, vector<16xi32>
    %mul3A_505 = arith.constant 8 : i32
    %mul3A_506 = vector.broadcast %mul3A_505 : i32 to vector<16xi32>
    %mul3A_507 = arith.muli %select_n3A_367, %mul3A_506 : vector<16xi32>
    %add3A_508 = arith.constant 15 : i32
    %add3A_509 = vector.broadcast %add3A_508 : i32 to vector<16xi32>
    %add3A_510 = arith.addi %mul3A_507, %add3A_509 : vector<16xi32>
    %add3A_511 = arith.addi %mul3A_285, %add3A_510 : vector<16xi32>
    %gather3A_512 = tpu.vector_load_idx %arg6[%add3A_511] : memref<8192xf32, #tpu.memory_space<vmem>>[vector<16xi32>], vector<16xf32>,
    %gt3A_513 = arith.cmpf ogt, %gather3A_512, %select_n3A_503 : vector<16xf32>
    %gt3A_514 = arith.cmpf ogt, %gather3A_512, %select_n3A_500 : vector<16xf32>
    %add3A_515 = arith.constant 7 : i32
    %add3A_516 = vector.broadcast %add3A_515 : i32 to vector<16xi32>
    %add3A_517 = arith.addi %broadcast_in_dim3A_5, %add3A_516 : vector<16xi32>
    %select_n3A_518 = arith.select %gt3A_514, %gather3A_512, %select_n3A_500 : vector<16xi1>, vector<16xf32>
    %select_n3A_519 = arith.select %gt3A_513, %select_n3A_503, %select_n3A_518 : vector<16xi1>, vector<16xf32>
    %select_n3A_520 = arith.select %gt3A_514, %add3A_517, %select_n3A_502 : vector<16xi1>, vector<16xi32>
    %select_n3A_521 = arith.select %gt3A_513, %select_n3A_504, %select_n3A_520 : vector<16xi1>, vector<16xi32>
    %select_n3A_522 = arith.select %gt3A_513, %gather3A_512, %select_n3A_503 : vector<16xi1>, vector<16xf32>
    %select_n3A_523 = arith.select %gt3A_513, %add3A_517, %select_n3A_504 : vector<16xi1>, vector<16xi32>
    %sub3A_524 = arith.subf %select_n3A_519, %select_n3A_522 : vector<16xf32>
    %exp3A_525 = math.exp %sub3A_524 : vector<16xf32>
    %add3A_526 = arith.constant 1.000000e+00 : f32
    %add3A_527 = vector.broadcast %add3A_526 : f32 to vector<16xf32>
    %add3A_528 = arith.addf %add3A_527, %exp3A_525 : vector<16xf32>
    %div3A_529 = arith.divf %exp3A_525, %add3A_528 : vector<16xf32>
    %sub3A_530 = arith.constant 1.000000e+00 : f32
    %sub3A_531 = vector.broadcast %sub3A_530 : f32 to vector<16xf32>
    %sub3A_532 = arith.subf %sub3A_531, %div3A_529 : vector<16xf32>
    %mul3A_533 = arith.constant 2 : i32
    %mul3A_534 = vector.broadcast %mul3A_533 : i32 to vector<16xi32>
    %mul3A_535 = arith.muli %add3A_282, %mul3A_534 : vector<16xi32>
    %mul3A_536 = arith.constant 8 : i32
    %mul3A_537 = vector.broadcast %mul3A_536 : i32 to vector<16xi32>
    %mul3A_538 = arith.muli %select_n3A_367, %mul3A_537 : vector<16xi32>
    %add3A_539 = arith.addi %mul3A_538, %select_n3A_523 : vector<16xi32>
    tpu.vector_store_idx %arg7[%mul3A_535], %add3A_539 : memref<128xi32, #tpu.memory_space<vmem>>[vector<16xi32>], vector<16xi32>,
    %mul3A_540 = arith.constant 2 : i32
    %mul3A_541 = vector.broadcast %mul3A_540 : i32 to vector<16xi32>
    %mul3A_542 = arith.muli %add3A_282, %mul3A_541 : vector<16xi32>
    %add3A_543 = arith.constant 1 : i32
    %add3A_544 = vector.broadcast %add3A_543 : i32 to vector<16xi32>
    %add3A_545 = arith.addi %mul3A_542, %add3A_544 : vector<16xi32>
    %mul3A_546 = arith.constant 8 : i32
    %mul3A_547 = vector.broadcast %mul3A_546 : i32 to vector<16xi32>
    %mul3A_548 = arith.muli %select_n3A_367, %mul3A_547 : vector<16xi32>
    %add3A_549 = arith.addi %mul3A_548, %select_n3A_521 : vector<16xi32>
    tpu.vector_store_idx %arg7[%add3A_545], %add3A_549 : memref<128xi32, #tpu.memory_space<vmem>>[vector<16xi32>], vector<16xi32>,
    %mul3A_550 = arith.constant 2 : i32
    %mul3A_551 = vector.broadcast %mul3A_550 : i32 to vector<16xi32>
    %mul3A_552 = arith.muli %add3A_282, %mul3A_551 : vector<16xi32>
    tpu.vector_store_idx %arg8[%mul3A_552], %sub3A_532 : memref<128xf32, #tpu.memory_space<vmem>>[vector<16xi32>], vector<16xf32>,
    %mul3A_553 = arith.constant 2 : i32
    %mul3A_554 = vector.broadcast %mul3A_553 : i32 to vector<16xi32>
    %mul3A_555 = arith.muli %add3A_282, %mul3A_554 : vector<16xi32>
    %add3A_556 = arith.constant 1 : i32
    %add3A_557 = vector.broadcast %add3A_556 : i32 to vector<16xi32>
    %add3A_558 = arith.addi %mul3A_555, %add3A_557 : vector<16xi32>
    tpu.vector_store_idx %arg8[%add3A_558], %div3A_529 : memref<128xf32, #tpu.memory_space<vmem>>[vector<16xi32>], vector<16xf32>,
    %swap3A_559 = arith.constant 16 : index
    %swap3A_560 = tpu.vector_load %arg9[%swap3A_559] {strides = array<i32>} : memref<64xi32, #tpu.memory_space<vmem>>, vector<16xi32>,
    tpu.vector_store %arg9[%swap3A_559], %select_n3A_367 {strides = array<i32>} : memref<64xi32, #tpu.memory_space<vmem>>, vector<16xi32>,
    %add3A_561 = arith.constant 32 : i32
    %add3A_562 = vector.broadcast %add3A_561 : i32 to vector<16xi32>
    %add3A_563 = arith.addi %iota3A, %add3A_562 : vector<16xi32>
    %mul3A_564 = arith.constant 128 : i32
    %mul3A_565 = vector.broadcast %mul3A_564 : i32 to vector<16xi32>
    %mul3A_566 = arith.muli %add3A_563, %mul3A_565 : vector<16xi32>
    %broadcast_in_dim3A_567 = arith.constant -1.000000e+30 : f32
    %broadcast_in_dim3A_568 = vector.broadcast %broadcast_in_dim3A_567 : f32 to vector<16xf32>
    %add3A_569 = arith.constant 0 : i32
    %add3A_570 = vector.broadcast %add3A_569 : i32 to vector<16xi32>
    %add3A_571 = arith.addi %mul3A_566, %add3A_570 : vector<16xi32>
    %gather3A_572 = tpu.vector_load_idx %arg6[%add3A_571] : memref<8192xf32, #tpu.memory_space<vmem>>[vector<16xi32>], vector<16xf32>,
    %gt3A_573 = arith.cmpf ogt, %gather3A_572, %broadcast_in_dim3A_568 : vector<16xf32>
    %select_n3A_574 = arith.select %gt3A_573, %gather3A_572, %broadcast_in_dim3A_568 : vector<16xi1>, vector<16xf32>
    %add3A_575 = arith.constant 0 : i32
    %add3A_576 = vector.broadcast %add3A_575 : i32 to vector<16xi32>
    %add3A_577 = arith.addi %broadcast_in_dim3A_5, %add3A_576 : vector<16xi32>
    %select_n3A_578 = arith.select %gt3A_573, %add3A_577, %broadcast_in_dim3A_5 : vector<16xi1>, vector<16xi32>
    %add3A_579 = arith.constant 1 : i32
    %add3A_580 = vector.broadcast %add3A_579 : i32 to vector<16xi32>
    %add3A_581 = arith.addi %mul3A_566, %add3A_580 : vector<16xi32>
    %gather3A_582 = tpu.vector_load_idx %arg6[%add3A_581] : memref<8192xf32, #tpu.memory_space<vmem>>[vector<16xi32>], vector<16xf32>,
    %gt3A_583 = arith.cmpf ogt, %gather3A_582, %select_n3A_574 : vector<16xf32>
    %select_n3A_584 = arith.select %gt3A_583, %gather3A_582, %select_n3A_574 : vector<16xi1>, vector<16xf32>
    %add3A_585 = arith.constant 1 : i32
    %add3A_586 = vector.broadcast %add3A_585 : i32 to vector<16xi32>
    %add3A_587 = arith.addi %broadcast_in_dim3A_5, %add3A_586 : vector<16xi32>
    %select_n3A_588 = arith.select %gt3A_583, %add3A_587, %select_n3A_578 : vector<16xi1>, vector<16xi32>
    %add3A_589 = arith.constant 2 : i32
    %add3A_590 = vector.broadcast %add3A_589 : i32 to vector<16xi32>
    %add3A_591 = arith.addi %mul3A_566, %add3A_590 : vector<16xi32>
    %gather3A_592 = tpu.vector_load_idx %arg6[%add3A_591] : memref<8192xf32, #tpu.memory_space<vmem>>[vector<16xi32>], vector<16xf32>,
    %gt3A_593 = arith.cmpf ogt, %gather3A_592, %select_n3A_584 : vector<16xf32>
    %select_n3A_594 = arith.select %gt3A_593, %gather3A_592, %select_n3A_584 : vector<16xi1>, vector<16xf32>
    %add3A_595 = arith.constant 2 : i32
    %add3A_596 = vector.broadcast %add3A_595 : i32 to vector<16xi32>
    %add3A_597 = arith.addi %broadcast_in_dim3A_5, %add3A_596 : vector<16xi32>
    %select_n3A_598 = arith.select %gt3A_593, %add3A_597, %select_n3A_588 : vector<16xi1>, vector<16xi32>
    %add3A_599 = arith.constant 3 : i32
    %add3A_600 = vector.broadcast %add3A_599 : i32 to vector<16xi32>
    %add3A_601 = arith.addi %mul3A_566, %add3A_600 : vector<16xi32>
    %gather3A_602 = tpu.vector_load_idx %arg6[%add3A_601] : memref<8192xf32, #tpu.memory_space<vmem>>[vector<16xi32>], vector<16xf32>,
    %gt3A_603 = arith.cmpf ogt, %gather3A_602, %select_n3A_594 : vector<16xf32>
    %select_n3A_604 = arith.select %gt3A_603, %gather3A_602, %select_n3A_594 : vector<16xi1>, vector<16xf32>
    %add3A_605 = arith.constant 3 : i32
    %add3A_606 = vector.broadcast %add3A_605 : i32 to vector<16xi32>
    %add3A_607 = arith.addi %broadcast_in_dim3A_5, %add3A_606 : vector<16xi32>
    %select_n3A_608 = arith.select %gt3A_603, %add3A_607, %select_n3A_598 : vector<16xi1>, vector<16xi32>
    %add3A_609 = arith.constant 4 : i32
    %add3A_610 = vector.broadcast %add3A_609 : i32 to vector<16xi32>
    %add3A_611 = arith.addi %mul3A_566, %add3A_610 : vector<16xi32>
    %gather3A_612 = tpu.vector_load_idx %arg6[%add3A_611] : memref<8192xf32, #tpu.memory_space<vmem>>[vector<16xi32>], vector<16xf32>,
    %gt3A_613 = arith.cmpf ogt, %gather3A_612, %select_n3A_604 : vector<16xf32>
    %select_n3A_614 = arith.select %gt3A_613, %gather3A_612, %select_n3A_604 : vector<16xi1>, vector<16xf32>
    %add3A_615 = arith.constant 4 : i32
    %add3A_616 = vector.broadcast %add3A_615 : i32 to vector<16xi32>
    %add3A_617 = arith.addi %broadcast_in_dim3A_5, %add3A_616 : vector<16xi32>
    %select_n3A_618 = arith.select %gt3A_613, %add3A_617, %select_n3A_608 : vector<16xi1>, vector<16xi32>
    %add3A_619 = arith.constant 5 : i32
    %add3A_620 = vector.broadcast %add3A_619 : i32 to vector<16xi32>
    %add3A_621 = arith.addi %mul3A_566, %add3A_620 : vector<16xi32>
    %gather3A_622 = tpu.vector_load_idx %arg6[%add3A_621] : memref<8192xf32, #tpu.memory_space<vmem>>[vector<16xi32>], vector<16xf32>,
    %gt3A_623 = arith.cmpf ogt, %gather3A_622, %select_n3A_614 : vector<16xf32>
    %select_n3A_624 = arith.select %gt3A_623, %gather3A_622, %select_n3A_614 : vector<16xi1>, vector<16xf32>
    %add3A_625 = arith.constant 5 : i32
    %add3A_626 = vector.broadcast %add3A_625 : i32 to vector<16xi32>
    %add3A_627 = arith.addi %broadcast_in_dim3A_5, %add3A_626 : vector<16xi32>
    %select_n3A_628 = arith.select %gt3A_623, %add3A_627, %select_n3A_618 : vector<16xi1>, vector<16xi32>
    %add3A_629 = arith.constant 6 : i32
    %add3A_630 = vector.broadcast %add3A_629 : i32 to vector<16xi32>
    %add3A_631 = arith.addi %mul3A_566, %add3A_630 : vector<16xi32>
    %gather3A_632 = tpu.vector_load_idx %arg6[%add3A_631] : memref<8192xf32, #tpu.memory_space<vmem>>[vector<16xi32>], vector<16xf32>,
    %gt3A_633 = arith.cmpf ogt, %gather3A_632, %select_n3A_624 : vector<16xf32>
    %select_n3A_634 = arith.select %gt3A_633, %gather3A_632, %select_n3A_624 : vector<16xi1>, vector<16xf32>
    %add3A_635 = arith.constant 6 : i32
    %add3A_636 = vector.broadcast %add3A_635 : i32 to vector<16xi32>
    %add3A_637 = arith.addi %broadcast_in_dim3A_5, %add3A_636 : vector<16xi32>
    %select_n3A_638 = arith.select %gt3A_633, %add3A_637, %select_n3A_628 : vector<16xi1>, vector<16xi32>
    %add3A_639 = arith.constant 7 : i32
    %add3A_640 = vector.broadcast %add3A_639 : i32 to vector<16xi32>
    %add3A_641 = arith.addi %mul3A_566, %add3A_640 : vector<16xi32>
    %gather3A_642 = tpu.vector_load_idx %arg6[%add3A_641] : memref<8192xf32, #tpu.memory_space<vmem>>[vector<16xi32>], vector<16xf32>,
    %gt3A_643 = arith.cmpf ogt, %gather3A_642, %select_n3A_634 : vector<16xf32>
    %select_n3A_644 = arith.select %gt3A_643, %gather3A_642, %select_n3A_634 : vector<16xi1>, vector<16xf32>
    %add3A_645 = arith.constant 7 : i32
    %add3A_646 = vector.broadcast %add3A_645 : i32 to vector<16xi32>
    %add3A_647 = arith.addi %broadcast_in_dim3A_5, %add3A_646 : vector<16xi32>
    %select_n3A_648 = arith.select %gt3A_643, %add3A_647, %select_n3A_638 : vector<16xi1>, vector<16xi32>
    %broadcast_in_dim3A_649 = arith.constant -1.000000e+30 : f32
    %broadcast_in_dim3A_650 = vector.broadcast %broadcast_in_dim3A_649 : f32 to vector<16xf32>
    %broadcast_in_dim3A_651 = arith.constant -1.000000e+30 : f32
    %broadcast_in_dim3A_652 = vector.broadcast %broadcast_in_dim3A_651 : f32 to vector<16xf32>
    %mul3A_653 = arith.constant 8 : i32
    %mul3A_654 = vector.broadcast %mul3A_653 : i32 to vector<16xi32>
    %mul3A_655 = arith.muli %select_n3A_648, %mul3A_654 : vector<16xi32>
    %add3A_656 = arith.constant 8 : i32
    %add3A_657 = vector.broadcast %add3A_656 : i32 to vector<16xi32>
    %add3A_658 = arith.addi %mul3A_655, %add3A_657 : vector<16xi32>
    %add3A_659 = arith.addi %mul3A_566, %add3A_658 : vector<16xi32>
    %gather3A_660 = tpu.vector_load_idx %arg6[%add3A_659] : memref<8192xf32, #tpu.memory_space<vmem>>[vector<16xi32>], vector<16xf32>,
    %gt3A_661 = arith.cmpf ogt, %gather3A_660, %broadcast_in_dim3A_650 : vector<16xf32>
    %gt3A_662 = arith.cmpf ogt, %gather3A_660, %broadcast_in_dim3A_652 : vector<16xf32>
    %add3A_663 = arith.constant 0 : i32
    %add3A_664 = vector.broadcast %add3A_663 : i32 to vector<16xi32>
    %add3A_665 = arith.addi %broadcast_in_dim3A_5, %add3A_664 : vector<16xi32>
    %select_n3A_666 = arith.select %gt3A_662, %gather3A_660, %broadcast_in_dim3A_652 : vector<16xi1>, vector<16xf32>
    %select_n3A_667 = arith.select %gt3A_661, %broadcast_in_dim3A_650, %select_n3A_666 : vector<16xi1>, vector<16xf32>
    %select_n3A_668 = arith.select %gt3A_662, %add3A_665, %broadcast_in_dim3A_5 : vector<16xi1>, vector<16xi32>
    %select_n3A_669 = arith.select %gt3A_661, %broadcast_in_dim3A_5, %select_n3A_668 : vector<16xi1>, vector<16xi32>
    %select_n3A_670 = arith.select %gt3A_661, %gather3A_660, %broadcast_in_dim3A_650 : vector<16xi1>, vector<16xf32>
    %select_n3A_671 = arith.select %gt3A_661, %add3A_665, %broadcast_in_dim3A_5 : vector<16xi1>, vector<16xi32>
    %mul3A_672 = arith.constant 8 : i32
    %mul3A_673 = vector.broadcast %mul3A_672 : i32 to vector<16xi32>
    %mul3A_674 = arith.muli %select_n3A_648, %mul3A_673 : vector<16xi32>
    %add3A_675 = arith.constant 9 : i32
    %add3A_676 = vector.broadcast %add3A_675 : i32 to vector<16xi32>
    %add3A_677 = arith.addi %mul3A_674, %add3A_676 : vector<16xi32>
    %add3A_678 = arith.addi %mul3A_566, %add3A_677 : vector<16xi32>
    %gather3A_679 = tpu.vector_load_idx %arg6[%add3A_678] : memref<8192xf32, #tpu.memory_space<vmem>>[vector<16xi32>], vector<16xf32>,
    %gt3A_680 = arith.cmpf ogt, %gather3A_679, %select_n3A_670 : vector<16xf32>
    %gt3A_681 = arith.cmpf ogt, %gather3A_679, %select_n3A_667 : vector<16xf32>
    %add3A_682 = arith.constant 1 : i32
    %add3A_683 = vector.broadcast %add3A_682 : i32 to vector<16xi32>
    %add3A_684 = arith.addi %broadcast_in_dim3A_5, %add3A_683 : vector<16xi32>
    %select_n3A_685 = arith.select %gt3A_681, %gather3A_679, %select_n3A_667 : vector<16xi1>, vector<16xf32>
    %select_n3A_686 = arith.select %gt3A_680, %select_n3A_670, %select_n3A_685 : vector<16xi1>, vector<16xf32>
    %select_n3A_687 = arith.select %gt3A_681, %add3A_684, %select_n3A_669 : vector<16xi1>, vector<16xi32>
    %select_n3A_688 = arith.select %gt3A_680, %select_n3A_671, %select_n3A_687 : vector<16xi1>, vector<16xi32>
    %select_n3A_689 = arith.select %gt3A_680, %gather3A_679, %select_n3A_670 : vector<16xi1>, vector<16xf32>
    %select_n3A_690 = arith.select %gt3A_680, %add3A_684, %select_n3A_671 : vector<16xi1>, vector<16xi32>
    %mul3A_691 = arith.constant 8 : i32
    %mul3A_692 = vector.broadcast %mul3A_691 : i32 to vector<16xi32>
    %mul3A_693 = arith.muli %select_n3A_648, %mul3A_692 : vector<16xi32>
    %add3A_694 = arith.constant 10 : i32
    %add3A_695 = vector.broadcast %add3A_694 : i32 to vector<16xi32>
    %add3A_696 = arith.addi %mul3A_693, %add3A_695 : vector<16xi32>
    %add3A_697 = arith.addi %mul3A_566, %add3A_696 : vector<16xi32>
    %gather3A_698 = tpu.vector_load_idx %arg6[%add3A_697] : memref<8192xf32, #tpu.memory_space<vmem>>[vector<16xi32>], vector<16xf32>,
    %gt3A_699 = arith.cmpf ogt, %gather3A_698, %select_n3A_689 : vector<16xf32>
    %gt3A_700 = arith.cmpf ogt, %gather3A_698, %select_n3A_686 : vector<16xf32>
    %add3A_701 = arith.constant 2 : i32
    %add3A_702 = vector.broadcast %add3A_701 : i32 to vector<16xi32>
    %add3A_703 = arith.addi %broadcast_in_dim3A_5, %add3A_702 : vector<16xi32>
    %select_n3A_704 = arith.select %gt3A_700, %gather3A_698, %select_n3A_686 : vector<16xi1>, vector<16xf32>
    %select_n3A_705 = arith.select %gt3A_699, %select_n3A_689, %select_n3A_704 : vector<16xi1>, vector<16xf32>
    %select_n3A_706 = arith.select %gt3A_700, %add3A_703, %select_n3A_688 : vector<16xi1>, vector<16xi32>
    %select_n3A_707 = arith.select %gt3A_699, %select_n3A_690, %select_n3A_706 : vector<16xi1>, vector<16xi32>
    %select_n3A_708 = arith.select %gt3A_699, %gather3A_698, %select_n3A_689 : vector<16xi1>, vector<16xf32>
    %select_n3A_709 = arith.select %gt3A_699, %add3A_703, %select_n3A_690 : vector<16xi1>, vector<16xi32>
    %mul3A_710 = arith.constant 8 : i32
    %mul3A_711 = vector.broadcast %mul3A_710 : i32 to vector<16xi32>
    %mul3A_712 = arith.muli %select_n3A_648, %mul3A_711 : vector<16xi32>
    %add3A_713 = arith.constant 11 : i32
    %add3A_714 = vector.broadcast %add3A_713 : i32 to vector<16xi32>
    %add3A_715 = arith.addi %mul3A_712, %add3A_714 : vector<16xi32>
    %add3A_716 = arith.addi %mul3A_566, %add3A_715 : vector<16xi32>
    %gather3A_717 = tpu.vector_load_idx %arg6[%add3A_716] : memref<8192xf32, #tpu.memory_space<vmem>>[vector<16xi32>], vector<16xf32>,
    %gt3A_718 = arith.cmpf ogt, %gather3A_717, %select_n3A_708 : vector<16xf32>
    %gt3A_719 = arith.cmpf ogt, %gather3A_717, %select_n3A_705 : vector<16xf32>
    %add3A_720 = arith.constant 3 : i32
    %add3A_721 = vector.broadcast %add3A_720 : i32 to vector<16xi32>
    %add3A_722 = arith.addi %broadcast_in_dim3A_5, %add3A_721 : vector<16xi32>
    %select_n3A_723 = arith.select %gt3A_719, %gather3A_717, %select_n3A_705 : vector<16xi1>, vector<16xf32>
    %select_n3A_724 = arith.select %gt3A_718, %select_n3A_708, %select_n3A_723 : vector<16xi1>, vector<16xf32>
    %select_n3A_725 = arith.select %gt3A_719, %add3A_722, %select_n3A_707 : vector<16xi1>, vector<16xi32>
    %select_n3A_726 = arith.select %gt3A_718, %select_n3A_709, %select_n3A_725 : vector<16xi1>, vector<16xi32>
    %select_n3A_727 = arith.select %gt3A_718, %gather3A_717, %select_n3A_708 : vector<16xi1>, vector<16xf32>
    %select_n3A_728 = arith.select %gt3A_718, %add3A_722, %select_n3A_709 : vector<16xi1>, vector<16xi32>
    %mul3A_729 = arith.constant 8 : i32
    %mul3A_730 = vector.broadcast %mul3A_729 : i32 to vector<16xi32>
    %mul3A_731 = arith.muli %select_n3A_648, %mul3A_730 : vector<16xi32>
    %add3A_732 = arith.constant 12 : i32
    %add3A_733 = vector.broadcast %add3A_732 : i32 to vector<16xi32>
    %add3A_734 = arith.addi %mul3A_731, %add3A_733 : vector<16xi32>
    %add3A_735 = arith.addi %mul3A_566, %add3A_734 : vector<16xi32>
    %gather3A_736 = tpu.vector_load_idx %arg6[%add3A_735] : memref<8192xf32, #tpu.memory_space<vmem>>[vector<16xi32>], vector<16xf32>,
    %gt3A_737 = arith.cmpf ogt, %gather3A_736, %select_n3A_727 : vector<16xf32>
    %gt3A_738 = arith.cmpf ogt, %gather3A_736, %select_n3A_724 : vector<16xf32>
    %add3A_739 = arith.constant 4 : i32
    %add3A_740 = vector.broadcast %add3A_739 : i32 to vector<16xi32>
    %add3A_741 = arith.addi %broadcast_in_dim3A_5, %add3A_740 : vector<16xi32>
    %select_n3A_742 = arith.select %gt3A_738, %gather3A_736, %select_n3A_724 : vector<16xi1>, vector<16xf32>
    %select_n3A_743 = arith.select %gt3A_737, %select_n3A_727, %select_n3A_742 : vector<16xi1>, vector<16xf32>
    %select_n3A_744 = arith.select %gt3A_738, %add3A_741, %select_n3A_726 : vector<16xi1>, vector<16xi32>
    %select_n3A_745 = arith.select %gt3A_737, %select_n3A_728, %select_n3A_744 : vector<16xi1>, vector<16xi32>
    %select_n3A_746 = arith.select %gt3A_737, %gather3A_736, %select_n3A_727 : vector<16xi1>, vector<16xf32>
    %select_n3A_747 = arith.select %gt3A_737, %add3A_741, %select_n3A_728 : vector<16xi1>, vector<16xi32>
    %mul3A_748 = arith.constant 8 : i32
    %mul3A_749 = vector.broadcast %mul3A_748 : i32 to vector<16xi32>
    %mul3A_750 = arith.muli %select_n3A_648, %mul3A_749 : vector<16xi32>
    %add3A_751 = arith.constant 13 : i32
    %add3A_752 = vector.broadcast %add3A_751 : i32 to vector<16xi32>
    %add3A_753 = arith.addi %mul3A_750, %add3A_752 : vector<16xi32>
    %add3A_754 = arith.addi %mul3A_566, %add3A_753 : vector<16xi32>
    %gather3A_755 = tpu.vector_load_idx %arg6[%add3A_754] : memref<8192xf32, #tpu.memory_space<vmem>>[vector<16xi32>], vector<16xf32>,
    %gt3A_756 = arith.cmpf ogt, %gather3A_755, %select_n3A_746 : vector<16xf32>
    %gt3A_757 = arith.cmpf ogt, %gather3A_755, %select_n3A_743 : vector<16xf32>
    %add3A_758 = arith.constant 5 : i32
    %add3A_759 = vector.broadcast %add3A_758 : i32 to vector<16xi32>
    %add3A_760 = arith.addi %broadcast_in_dim3A_5, %add3A_759 : vector<16xi32>
    %select_n3A_761 = arith.select %gt3A_757, %gather3A_755, %select_n3A_743 : vector<16xi1>, vector<16xf32>
    %select_n3A_762 = arith.select %gt3A_756, %select_n3A_746, %select_n3A_761 : vector<16xi1>, vector<16xf32>
    %select_n3A_763 = arith.select %gt3A_757, %add3A_760, %select_n3A_745 : vector<16xi1>, vector<16xi32>
    %select_n3A_764 = arith.select %gt3A_756, %select_n3A_747, %select_n3A_763 : vector<16xi1>, vector<16xi32>
    %select_n3A_765 = arith.select %gt3A_756, %gather3A_755, %select_n3A_746 : vector<16xi1>, vector<16xf32>
    %select_n3A_766 = arith.select %gt3A_756, %add3A_760, %select_n3A_747 : vector<16xi1>, vector<16xi32>
    %mul3A_767 = arith.constant 8 : i32
    %mul3A_768 = vector.broadcast %mul3A_767 : i32 to vector<16xi32>
    %mul3A_769 = arith.muli %select_n3A_648, %mul3A_768 : vector<16xi32>
    %add3A_770 = arith.constant 14 : i32
    %add3A_771 = vector.broadcast %add3A_770 : i32 to vector<16xi32>
    %add3A_772 = arith.addi %mul3A_769, %add3A_771 : vector<16xi32>
    %add3A_773 = arith.addi %mul3A_566, %add3A_772 : vector<16xi32>
    %gather3A_774 = tpu.vector_load_idx %arg6[%add3A_773] : memref<8192xf32, #tpu.memory_space<vmem>>[vector<16xi32>], vector<16xf32>,
    %gt3A_775 = arith.cmpf ogt, %gather3A_774, %select_n3A_765 : vector<16xf32>
    %gt3A_776 = arith.cmpf ogt, %gather3A_774, %select_n3A_762 : vector<16xf32>
    %add3A_777 = arith.constant 6 : i32
    %add3A_778 = vector.broadcast %add3A_777 : i32 to vector<16xi32>
    %add3A_779 = arith.addi %broadcast_in_dim3A_5, %add3A_778 : vector<16xi32>
    %select_n3A_780 = arith.select %gt3A_776, %gather3A_774, %select_n3A_762 : vector<16xi1>, vector<16xf32>
    %select_n3A_781 = arith.select %gt3A_775, %select_n3A_765, %select_n3A_780 : vector<16xi1>, vector<16xf32>
    %select_n3A_782 = arith.select %gt3A_776, %add3A_779, %select_n3A_764 : vector<16xi1>, vector<16xi32>
    %select_n3A_783 = arith.select %gt3A_775, %select_n3A_766, %select_n3A_782 : vector<16xi1>, vector<16xi32>
    %select_n3A_784 = arith.select %gt3A_775, %gather3A_774, %select_n3A_765 : vector<16xi1>, vector<16xf32>
    %select_n3A_785 = arith.select %gt3A_775, %add3A_779, %select_n3A_766 : vector<16xi1>, vector<16xi32>
    %mul3A_786 = arith.constant 8 : i32
    %mul3A_787 = vector.broadcast %mul3A_786 : i32 to vector<16xi32>
    %mul3A_788 = arith.muli %select_n3A_648, %mul3A_787 : vector<16xi32>
    %add3A_789 = arith.constant 15 : i32
    %add3A_790 = vector.broadcast %add3A_789 : i32 to vector<16xi32>
    %add3A_791 = arith.addi %mul3A_788, %add3A_790 : vector<16xi32>
    %add3A_792 = arith.addi %mul3A_566, %add3A_791 : vector<16xi32>
    %gather3A_793 = tpu.vector_load_idx %arg6[%add3A_792] : memref<8192xf32, #tpu.memory_space<vmem>>[vector<16xi32>], vector<16xf32>,
    %gt3A_794 = arith.cmpf ogt, %gather3A_793, %select_n3A_784 : vector<16xf32>
    %gt3A_795 = arith.cmpf ogt, %gather3A_793, %select_n3A_781 : vector<16xf32>
    %add3A_796 = arith.constant 7 : i32
    %add3A_797 = vector.broadcast %add3A_796 : i32 to vector<16xi32>
    %add3A_798 = arith.addi %broadcast_in_dim3A_5, %add3A_797 : vector<16xi32>
    %select_n3A_799 = arith.select %gt3A_795, %gather3A_793, %select_n3A_781 : vector<16xi1>, vector<16xf32>
    %select_n3A_800 = arith.select %gt3A_794, %select_n3A_784, %select_n3A_799 : vector<16xi1>, vector<16xf32>
    %select_n3A_801 = arith.select %gt3A_795, %add3A_798, %select_n3A_783 : vector<16xi1>, vector<16xi32>
    %select_n3A_802 = arith.select %gt3A_794, %select_n3A_785, %select_n3A_801 : vector<16xi1>, vector<16xi32>
    %select_n3A_803 = arith.select %gt3A_794, %gather3A_793, %select_n3A_784 : vector<16xi1>, vector<16xf32>
    %select_n3A_804 = arith.select %gt3A_794, %add3A_798, %select_n3A_785 : vector<16xi1>, vector<16xi32>
    %sub3A_805 = arith.subf %select_n3A_800, %select_n3A_803 : vector<16xf32>
    %exp3A_806 = math.exp %sub3A_805 : vector<16xf32>
    %add3A_807 = arith.constant 1.000000e+00 : f32
    %add3A_808 = vector.broadcast %add3A_807 : f32 to vector<16xf32>
    %add3A_809 = arith.addf %add3A_808, %exp3A_806 : vector<16xf32>
    %div3A_810 = arith.divf %exp3A_806, %add3A_809 : vector<16xf32>
    %sub3A_811 = arith.constant 1.000000e+00 : f32
    %sub3A_812 = vector.broadcast %sub3A_811 : f32 to vector<16xf32>
    %sub3A_813 = arith.subf %sub3A_812, %div3A_810 : vector<16xf32>
    %mul3A_814 = arith.constant 2 : i32
    %mul3A_815 = vector.broadcast %mul3A_814 : i32 to vector<16xi32>
    %mul3A_816 = arith.muli %add3A_563, %mul3A_815 : vector<16xi32>
    %mul3A_817 = arith.constant 8 : i32
    %mul3A_818 = vector.broadcast %mul3A_817 : i32 to vector<16xi32>
    %mul3A_819 = arith.muli %select_n3A_648, %mul3A_818 : vector<16xi32>
    %add3A_820 = arith.addi %mul3A_819, %select_n3A_804 : vector<16xi32>
    tpu.vector_store_idx %arg7[%mul3A_816], %add3A_820 : memref<128xi32, #tpu.memory_space<vmem>>[vector<16xi32>], vector<16xi32>,
    %mul3A_821 = arith.constant 2 : i32
    %mul3A_822 = vector.broadcast %mul3A_821 : i32 to vector<16xi32>
    %mul3A_823 = arith.muli %add3A_563, %mul3A_822 : vector<16xi32>
    %add3A_824 = arith.constant 1 : i32
    %add3A_825 = vector.broadcast %add3A_824 : i32 to vector<16xi32>
    %add3A_826 = arith.addi %mul3A_823, %add3A_825 : vector<16xi32>
    %mul3A_827 = arith.constant 8 : i32
    %mul3A_828 = vector.broadcast %mul3A_827 : i32 to vector<16xi32>
    %mul3A_829 = arith.muli %select_n3A_648, %mul3A_828 : vector<16xi32>
    %add3A_830 = arith.addi %mul3A_829, %select_n3A_802 : vector<16xi32>
    tpu.vector_store_idx %arg7[%add3A_826], %add3A_830 : memref<128xi32, #tpu.memory_space<vmem>>[vector<16xi32>], vector<16xi32>,
    %mul3A_831 = arith.constant 2 : i32
    %mul3A_832 = vector.broadcast %mul3A_831 : i32 to vector<16xi32>
    %mul3A_833 = arith.muli %add3A_563, %mul3A_832 : vector<16xi32>
    tpu.vector_store_idx %arg8[%mul3A_833], %sub3A_813 : memref<128xf32, #tpu.memory_space<vmem>>[vector<16xi32>], vector<16xf32>,
    %mul3A_834 = arith.constant 2 : i32
    %mul3A_835 = vector.broadcast %mul3A_834 : i32 to vector<16xi32>
    %mul3A_836 = arith.muli %add3A_563, %mul3A_835 : vector<16xi32>
    %add3A_837 = arith.constant 1 : i32
    %add3A_838 = vector.broadcast %add3A_837 : i32 to vector<16xi32>
    %add3A_839 = arith.addi %mul3A_836, %add3A_838 : vector<16xi32>
    tpu.vector_store_idx %arg8[%add3A_839], %div3A_810 : memref<128xf32, #tpu.memory_space<vmem>>[vector<16xi32>], vector<16xf32>,
    %swap3A_840 = arith.constant 32 : index
    %swap3A_841 = tpu.vector_load %arg9[%swap3A_840] {strides = array<i32>} : memref<64xi32, #tpu.memory_space<vmem>>, vector<16xi32>,
    tpu.vector_store %arg9[%swap3A_840], %select_n3A_648 {strides = array<i32>} : memref<64xi32, #tpu.memory_space<vmem>>, vector<16xi32>,
    %add3A_842 = arith.constant 48 : i32
    %add3A_843 = vector.broadcast %add3A_842 : i32 to vector<16xi32>
    %add3A_844 = arith.addi %iota3A, %add3A_843 : vector<16xi32>
    %mul3A_845 = arith.constant 128 : i32
    %mul3A_846 = vector.broadcast %mul3A_845 : i32 to vector<16xi32>
    %mul3A_847 = arith.muli %add3A_844, %mul3A_846 : vector<16xi32>
    %broadcast_in_dim3A_848 = arith.constant -1.000000e+30 : f32
    %broadcast_in_dim3A_849 = vector.broadcast %broadcast_in_dim3A_848 : f32 to vector<16xf32>
    %add3A_850 = arith.constant 0 : i32
    %add3A_851 = vector.broadcast %add3A_850 : i32 to vector<16xi32>
    %add3A_852 = arith.addi %mul3A_847, %add3A_851 : vector<16xi32>
    %gather3A_853 = tpu.vector_load_idx %arg6[%add3A_852] : memref<8192xf32, #tpu.memory_space<vmem>>[vector<16xi32>], vector<16xf32>,
    %gt3A_854 = arith.cmpf ogt, %gather3A_853, %broadcast_in_dim3A_849 : vector<16xf32>
    %select_n3A_855 = arith.select %gt3A_854, %gather3A_853, %broadcast_in_dim3A_849 : vector<16xi1>, vector<16xf32>
    %add3A_856 = arith.constant 0 : i32
    %add3A_857 = vector.broadcast %add3A_856 : i32 to vector<16xi32>
    %add3A_858 = arith.addi %broadcast_in_dim3A_5, %add3A_857 : vector<16xi32>
    %select_n3A_859 = arith.select %gt3A_854, %add3A_858, %broadcast_in_dim3A_5 : vector<16xi1>, vector<16xi32>
    %add3A_860 = arith.constant 1 : i32
    %add3A_861 = vector.broadcast %add3A_860 : i32 to vector<16xi32>
    %add3A_862 = arith.addi %mul3A_847, %add3A_861 : vector<16xi32>
    %gather3A_863 = tpu.vector_load_idx %arg6[%add3A_862] : memref<8192xf32, #tpu.memory_space<vmem>>[vector<16xi32>], vector<16xf32>,
    %gt3A_864 = arith.cmpf ogt, %gather3A_863, %select_n3A_855 : vector<16xf32>
    %select_n3A_865 = arith.select %gt3A_864, %gather3A_863, %select_n3A_855 : vector<16xi1>, vector<16xf32>
    %add3A_866 = arith.constant 1 : i32
    %add3A_867 = vector.broadcast %add3A_866 : i32 to vector<16xi32>
    %add3A_868 = arith.addi %broadcast_in_dim3A_5, %add3A_867 : vector<16xi32>
    %select_n3A_869 = arith.select %gt3A_864, %add3A_868, %select_n3A_859 : vector<16xi1>, vector<16xi32>
    %add3A_870 = arith.constant 2 : i32
    %add3A_871 = vector.broadcast %add3A_870 : i32 to vector<16xi32>
    %add3A_872 = arith.addi %mul3A_847, %add3A_871 : vector<16xi32>
    %gather3A_873 = tpu.vector_load_idx %arg6[%add3A_872] : memref<8192xf32, #tpu.memory_space<vmem>>[vector<16xi32>], vector<16xf32>,
    %gt3A_874 = arith.cmpf ogt, %gather3A_873, %select_n3A_865 : vector<16xf32>
    %select_n3A_875 = arith.select %gt3A_874, %gather3A_873, %select_n3A_865 : vector<16xi1>, vector<16xf32>
    %add3A_876 = arith.constant 2 : i32
    %add3A_877 = vector.broadcast %add3A_876 : i32 to vector<16xi32>
    %add3A_878 = arith.addi %broadcast_in_dim3A_5, %add3A_877 : vector<16xi32>
    %select_n3A_879 = arith.select %gt3A_874, %add3A_878, %select_n3A_869 : vector<16xi1>, vector<16xi32>
    %add3A_880 = arith.constant 3 : i32
    %add3A_881 = vector.broadcast %add3A_880 : i32 to vector<16xi32>
    %add3A_882 = arith.addi %mul3A_847, %add3A_881 : vector<16xi32>
    %gather3A_883 = tpu.vector_load_idx %arg6[%add3A_882] : memref<8192xf32, #tpu.memory_space<vmem>>[vector<16xi32>], vector<16xf32>,
    %gt3A_884 = arith.cmpf ogt, %gather3A_883, %select_n3A_875 : vector<16xf32>
    %select_n3A_885 = arith.select %gt3A_884, %gather3A_883, %select_n3A_875 : vector<16xi1>, vector<16xf32>
    %add3A_886 = arith.constant 3 : i32
    %add3A_887 = vector.broadcast %add3A_886 : i32 to vector<16xi32>
    %add3A_888 = arith.addi %broadcast_in_dim3A_5, %add3A_887 : vector<16xi32>
    %select_n3A_889 = arith.select %gt3A_884, %add3A_888, %select_n3A_879 : vector<16xi1>, vector<16xi32>
    %add3A_890 = arith.constant 4 : i32
    %add3A_891 = vector.broadcast %add3A_890 : i32 to vector<16xi32>
    %add3A_892 = arith.addi %mul3A_847, %add3A_891 : vector<16xi32>
    %gather3A_893 = tpu.vector_load_idx %arg6[%add3A_892] : memref<8192xf32, #tpu.memory_space<vmem>>[vector<16xi32>], vector<16xf32>,
    %gt3A_894 = arith.cmpf ogt, %gather3A_893, %select_n3A_885 : vector<16xf32>
    %select_n3A_895 = arith.select %gt3A_894, %gather3A_893, %select_n3A_885 : vector<16xi1>, vector<16xf32>
    %add3A_896 = arith.constant 4 : i32
    %add3A_897 = vector.broadcast %add3A_896 : i32 to vector<16xi32>
    %add3A_898 = arith.addi %broadcast_in_dim3A_5, %add3A_897 : vector<16xi32>
    %select_n3A_899 = arith.select %gt3A_894, %add3A_898, %select_n3A_889 : vector<16xi1>, vector<16xi32>
    %add3A_900 = arith.constant 5 : i32
    %add3A_901 = vector.broadcast %add3A_900 : i32 to vector<16xi32>
    %add3A_902 = arith.addi %mul3A_847, %add3A_901 : vector<16xi32>
    %gather3A_903 = tpu.vector_load_idx %arg6[%add3A_902] : memref<8192xf32, #tpu.memory_space<vmem>>[vector<16xi32>], vector<16xf32>,
    %gt3A_904 = arith.cmpf ogt, %gather3A_903, %select_n3A_895 : vector<16xf32>
    %select_n3A_905 = arith.select %gt3A_904, %gather3A_903, %select_n3A_895 : vector<16xi1>, vector<16xf32>
    %add3A_906 = arith.constant 5 : i32
    %add3A_907 = vector.broadcast %add3A_906 : i32 to vector<16xi32>
    %add3A_908 = arith.addi %broadcast_in_dim3A_5, %add3A_907 : vector<16xi32>
    %select_n3A_909 = arith.select %gt3A_904, %add3A_908, %select_n3A_899 : vector<16xi1>, vector<16xi32>
    %add3A_910 = arith.constant 6 : i32
    %add3A_911 = vector.broadcast %add3A_910 : i32 to vector<16xi32>
    %add3A_912 = arith.addi %mul3A_847, %add3A_911 : vector<16xi32>
    %gather3A_913 = tpu.vector_load_idx %arg6[%add3A_912] : memref<8192xf32, #tpu.memory_space<vmem>>[vector<16xi32>], vector<16xf32>,
    %gt3A_914 = arith.cmpf ogt, %gather3A_913, %select_n3A_905 : vector<16xf32>
    %select_n3A_915 = arith.select %gt3A_914, %gather3A_913, %select_n3A_905 : vector<16xi1>, vector<16xf32>
    %add3A_916 = arith.constant 6 : i32
    %add3A_917 = vector.broadcast %add3A_916 : i32 to vector<16xi32>
    %add3A_918 = arith.addi %broadcast_in_dim3A_5, %add3A_917 : vector<16xi32>
    %select_n3A_919 = arith.select %gt3A_914, %add3A_918, %select_n3A_909 : vector<16xi1>, vector<16xi32>
    %add3A_920 = arith.constant 7 : i32
    %add3A_921 = vector.broadcast %add3A_920 : i32 to vector<16xi32>
    %add3A_922 = arith.addi %mul3A_847, %add3A_921 : vector<16xi32>
    %gather3A_923 = tpu.vector_load_idx %arg6[%add3A_922] : memref<8192xf32, #tpu.memory_space<vmem>>[vector<16xi32>], vector<16xf32>,
    %gt3A_924 = arith.cmpf ogt, %gather3A_923, %select_n3A_915 : vector<16xf32>
    %select_n3A_925 = arith.select %gt3A_924, %gather3A_923, %select_n3A_915 : vector<16xi1>, vector<16xf32>
    %add3A_926 = arith.constant 7 : i32
    %add3A_927 = vector.broadcast %add3A_926 : i32 to vector<16xi32>
    %add3A_928 = arith.addi %broadcast_in_dim3A_5, %add3A_927 : vector<16xi32>
    %select_n3A_929 = arith.select %gt3A_924, %add3A_928, %select_n3A_919 : vector<16xi1>, vector<16xi32>
    %broadcast_in_dim3A_930 = arith.constant -1.000000e+30 : f32
    %broadcast_in_dim3A_931 = vector.broadcast %broadcast_in_dim3A_930 : f32 to vector<16xf32>
    %broadcast_in_dim3A_932 = arith.constant -1.000000e+30 : f32
    %broadcast_in_dim3A_933 = vector.broadcast %broadcast_in_dim3A_932 : f32 to vector<16xf32>
    %mul3A_934 = arith.constant 8 : i32
    %mul3A_935 = vector.broadcast %mul3A_934 : i32 to vector<16xi32>
    %mul3A_936 = arith.muli %select_n3A_929, %mul3A_935 : vector<16xi32>
    %add3A_937 = arith.constant 8 : i32
    %add3A_938 = vector.broadcast %add3A_937 : i32 to vector<16xi32>
    %add3A_939 = arith.addi %mul3A_936, %add3A_938 : vector<16xi32>
    %add3A_940 = arith.addi %mul3A_847, %add3A_939 : vector<16xi32>
    %gather3A_941 = tpu.vector_load_idx %arg6[%add3A_940] : memref<8192xf32, #tpu.memory_space<vmem>>[vector<16xi32>], vector<16xf32>,
    %gt3A_942 = arith.cmpf ogt, %gather3A_941, %broadcast_in_dim3A_931 : vector<16xf32>
    %gt3A_943 = arith.cmpf ogt, %gather3A_941, %broadcast_in_dim3A_933 : vector<16xf32>
    %add3A_944 = arith.constant 0 : i32
    %add3A_945 = vector.broadcast %add3A_944 : i32 to vector<16xi32>
    %add3A_946 = arith.addi %broadcast_in_dim3A_5, %add3A_945 : vector<16xi32>
    %select_n3A_947 = arith.select %gt3A_943, %gather3A_941, %broadcast_in_dim3A_933 : vector<16xi1>, vector<16xf32>
    %select_n3A_948 = arith.select %gt3A_942, %broadcast_in_dim3A_931, %select_n3A_947 : vector<16xi1>, vector<16xf32>
    %select_n3A_949 = arith.select %gt3A_943, %add3A_946, %broadcast_in_dim3A_5 : vector<16xi1>, vector<16xi32>
    %select_n3A_950 = arith.select %gt3A_942, %broadcast_in_dim3A_5, %select_n3A_949 : vector<16xi1>, vector<16xi32>
    %select_n3A_951 = arith.select %gt3A_942, %gather3A_941, %broadcast_in_dim3A_931 : vector<16xi1>, vector<16xf32>
    %select_n3A_952 = arith.select %gt3A_942, %add3A_946, %broadcast_in_dim3A_5 : vector<16xi1>, vector<16xi32>
    %mul3A_953 = arith.constant 8 : i32
    %mul3A_954 = vector.broadcast %mul3A_953 : i32 to vector<16xi32>
    %mul3A_955 = arith.muli %select_n3A_929, %mul3A_954 : vector<16xi32>
    %add3A_956 = arith.constant 9 : i32
    %add3A_957 = vector.broadcast %add3A_956 : i32 to vector<16xi32>
    %add3A_958 = arith.addi %mul3A_955, %add3A_957 : vector<16xi32>
    %add3A_959 = arith.addi %mul3A_847, %add3A_958 : vector<16xi32>
    %gather3A_960 = tpu.vector_load_idx %arg6[%add3A_959] : memref<8192xf32, #tpu.memory_space<vmem>>[vector<16xi32>], vector<16xf32>,
    %gt3A_961 = arith.cmpf ogt, %gather3A_960, %select_n3A_951 : vector<16xf32>
    %gt3A_962 = arith.cmpf ogt, %gather3A_960, %select_n3A_948 : vector<16xf32>
    %add3A_963 = arith.constant 1 : i32
    %add3A_964 = vector.broadcast %add3A_963 : i32 to vector<16xi32>
    %add3A_965 = arith.addi %broadcast_in_dim3A_5, %add3A_964 : vector<16xi32>
    %select_n3A_966 = arith.select %gt3A_962, %gather3A_960, %select_n3A_948 : vector<16xi1>, vector<16xf32>
    %select_n3A_967 = arith.select %gt3A_961, %select_n3A_951, %select_n3A_966 : vector<16xi1>, vector<16xf32>
    %select_n3A_968 = arith.select %gt3A_962, %add3A_965, %select_n3A_950 : vector<16xi1>, vector<16xi32>
    %select_n3A_969 = arith.select %gt3A_961, %select_n3A_952, %select_n3A_968 : vector<16xi1>, vector<16xi32>
    %select_n3A_970 = arith.select %gt3A_961, %gather3A_960, %select_n3A_951 : vector<16xi1>, vector<16xf32>
    %select_n3A_971 = arith.select %gt3A_961, %add3A_965, %select_n3A_952 : vector<16xi1>, vector<16xi32>
    %mul3A_972 = arith.constant 8 : i32
    %mul3A_973 = vector.broadcast %mul3A_972 : i32 to vector<16xi32>
    %mul3A_974 = arith.muli %select_n3A_929, %mul3A_973 : vector<16xi32>
    %add3A_975 = arith.constant 10 : i32
    %add3A_976 = vector.broadcast %add3A_975 : i32 to vector<16xi32>
    %add3A_977 = arith.addi %mul3A_974, %add3A_976 : vector<16xi32>
    %add3A_978 = arith.addi %mul3A_847, %add3A_977 : vector<16xi32>
    %gather3A_979 = tpu.vector_load_idx %arg6[%add3A_978] : memref<8192xf32, #tpu.memory_space<vmem>>[vector<16xi32>], vector<16xf32>,
    %gt3A_980 = arith.cmpf ogt, %gather3A_979, %select_n3A_970 : vector<16xf32>
    %gt3A_981 = arith.cmpf ogt, %gather3A_979, %select_n3A_967 : vector<16xf32>
    %add3A_982 = arith.constant 2 : i32
    %add3A_983 = vector.broadcast %add3A_982 : i32 to vector<16xi32>
    %add3A_984 = arith.addi %broadcast_in_dim3A_5, %add3A_983 : vector<16xi32>
    %select_n3A_985 = arith.select %gt3A_981, %gather3A_979, %select_n3A_967 : vector<16xi1>, vector<16xf32>
    %select_n3A_986 = arith.select %gt3A_980, %select_n3A_970, %select_n3A_985 : vector<16xi1>, vector<16xf32>
    %select_n3A_987 = arith.select %gt3A_981, %add3A_984, %select_n3A_969 : vector<16xi1>, vector<16xi32>
    %select_n3A_988 = arith.select %gt3A_980, %select_n3A_971, %select_n3A_987 : vector<16xi1>, vector<16xi32>
    %select_n3A_989 = arith.select %gt3A_980, %gather3A_979, %select_n3A_970 : vector<16xi1>, vector<16xf32>
    %select_n3A_990 = arith.select %gt3A_980, %add3A_984, %select_n3A_971 : vector<16xi1>, vector<16xi32>
    %mul3A_991 = arith.constant 8 : i32
    %mul3A_992 = vector.broadcast %mul3A_991 : i32 to vector<16xi32>
    %mul3A_993 = arith.muli %select_n3A_929, %mul3A_992 : vector<16xi32>
    %add3A_994 = arith.constant 11 : i32
    %add3A_995 = vector.broadcast %add3A_994 : i32 to vector<16xi32>
    %add3A_996 = arith.addi %mul3A_993, %add3A_995 : vector<16xi32>
    %add3A_997 = arith.addi %mul3A_847, %add3A_996 : vector<16xi32>
    %gather3A_998 = tpu.vector_load_idx %arg6[%add3A_997] : memref<8192xf32, #tpu.memory_space<vmem>>[vector<16xi32>], vector<16xf32>,
    %gt3A_999 = arith.cmpf ogt, %gather3A_998, %select_n3A_989 : vector<16xf32>
    %gt3A_1000 = arith.cmpf ogt, %gather3A_998, %select_n3A_986 : vector<16xf32>
    %add3A_1001 = arith.constant 3 : i32
    %add3A_1002 = vector.broadcast %add3A_1001 : i32 to vector<16xi32>
    %add3A_1003 = arith.addi %broadcast_in_dim3A_5, %add3A_1002 : vector<16xi32>
    %select_n3A_1004 = arith.select %gt3A_1000, %gather3A_998, %select_n3A_986 : vector<16xi1>, vector<16xf32>
    %select_n3A_1005 = arith.select %gt3A_999, %select_n3A_989, %select_n3A_1004 : vector<16xi1>, vector<16xf32>
    %select_n3A_1006 = arith.select %gt3A_1000, %add3A_1003, %select_n3A_988 : vector<16xi1>, vector<16xi32>
    %select_n3A_1007 = arith.select %gt3A_999, %select_n3A_990, %select_n3A_1006 : vector<16xi1>, vector<16xi32>
    %select_n3A_1008 = arith.select %gt3A_999, %gather3A_998, %select_n3A_989 : vector<16xi1>, vector<16xf32>
    %select_n3A_1009 = arith.select %gt3A_999, %add3A_1003, %select_n3A_990 : vector<16xi1>, vector<16xi32>
    %mul3A_1010 = arith.constant 8 : i32
    %mul3A_1011 = vector.broadcast %mul3A_1010 : i32 to vector<16xi32>
    %mul3A_1012 = arith.muli %select_n3A_929, %mul3A_1011 : vector<16xi32>
    %add3A_1013 = arith.constant 12 : i32
    %add3A_1014 = vector.broadcast %add3A_1013 : i32 to vector<16xi32>
    %add3A_1015 = arith.addi %mul3A_1012, %add3A_1014 : vector<16xi32>
    %add3A_1016 = arith.addi %mul3A_847, %add3A_1015 : vector<16xi32>
    %gather3A_1017 = tpu.vector_load_idx %arg6[%add3A_1016] : memref<8192xf32, #tpu.memory_space<vmem>>[vector<16xi32>], vector<16xf32>,
    %gt3A_1018 = arith.cmpf ogt, %gather3A_1017, %select_n3A_1008 : vector<16xf32>
    %gt3A_1019 = arith.cmpf ogt, %gather3A_1017, %select_n3A_1005 : vector<16xf32>
    %add3A_1020 = arith.constant 4 : i32
    %add3A_1021 = vector.broadcast %add3A_1020 : i32 to vector<16xi32>
    %add3A_1022 = arith.addi %broadcast_in_dim3A_5, %add3A_1021 : vector<16xi32>
    %select_n3A_1023 = arith.select %gt3A_1019, %gather3A_1017, %select_n3A_1005 : vector<16xi1>, vector<16xf32>
    %select_n3A_1024 = arith.select %gt3A_1018, %select_n3A_1008, %select_n3A_1023 : vector<16xi1>, vector<16xf32>
    %select_n3A_1025 = arith.select %gt3A_1019, %add3A_1022, %select_n3A_1007 : vector<16xi1>, vector<16xi32>
    %select_n3A_1026 = arith.select %gt3A_1018, %select_n3A_1009, %select_n3A_1025 : vector<16xi1>, vector<16xi32>
    %select_n3A_1027 = arith.select %gt3A_1018, %gather3A_1017, %select_n3A_1008 : vector<16xi1>, vector<16xf32>
    %select_n3A_1028 = arith.select %gt3A_1018, %add3A_1022, %select_n3A_1009 : vector<16xi1>, vector<16xi32>
    %mul3A_1029 = arith.constant 8 : i32
    %mul3A_1030 = vector.broadcast %mul3A_1029 : i32 to vector<16xi32>
    %mul3A_1031 = arith.muli %select_n3A_929, %mul3A_1030 : vector<16xi32>
    %add3A_1032 = arith.constant 13 : i32
    %add3A_1033 = vector.broadcast %add3A_1032 : i32 to vector<16xi32>
    %add3A_1034 = arith.addi %mul3A_1031, %add3A_1033 : vector<16xi32>
    %add3A_1035 = arith.addi %mul3A_847, %add3A_1034 : vector<16xi32>
    %gather3A_1036 = tpu.vector_load_idx %arg6[%add3A_1035] : memref<8192xf32, #tpu.memory_space<vmem>>[vector<16xi32>], vector<16xf32>,
    %gt3A_1037 = arith.cmpf ogt, %gather3A_1036, %select_n3A_1027 : vector<16xf32>
    %gt3A_1038 = arith.cmpf ogt, %gather3A_1036, %select_n3A_1024 : vector<16xf32>
    %add3A_1039 = arith.constant 5 : i32
    %add3A_1040 = vector.broadcast %add3A_1039 : i32 to vector<16xi32>
    %add3A_1041 = arith.addi %broadcast_in_dim3A_5, %add3A_1040 : vector<16xi32>
    %select_n3A_1042 = arith.select %gt3A_1038, %gather3A_1036, %select_n3A_1024 : vector<16xi1>, vector<16xf32>
    %select_n3A_1043 = arith.select %gt3A_1037, %select_n3A_1027, %select_n3A_1042 : vector<16xi1>, vector<16xf32>
    %select_n3A_1044 = arith.select %gt3A_1038, %add3A_1041, %select_n3A_1026 : vector<16xi1>, vector<16xi32>
    %select_n3A_1045 = arith.select %gt3A_1037, %select_n3A_1028, %select_n3A_1044 : vector<16xi1>, vector<16xi32>
    %select_n3A_1046 = arith.select %gt3A_1037, %gather3A_1036, %select_n3A_1027 : vector<16xi1>, vector<16xf32>
    %select_n3A_1047 = arith.select %gt3A_1037, %add3A_1041, %select_n3A_1028 : vector<16xi1>, vector<16xi32>
    %mul3A_1048 = arith.constant 8 : i32
    %mul3A_1049 = vector.broadcast %mul3A_1048 : i32 to vector<16xi32>
    %mul3A_1050 = arith.muli %select_n3A_929, %mul3A_1049 : vector<16xi32>
    %add3A_1051 = arith.constant 14 : i32
    %add3A_1052 = vector.broadcast %add3A_1051 : i32 to vector<16xi32>
    %add3A_1053 = arith.addi %mul3A_1050, %add3A_1052 : vector<16xi32>
    %add3A_1054 = arith.addi %mul3A_847, %add3A_1053 : vector<16xi32>
    %gather3A_1055 = tpu.vector_load_idx %arg6[%add3A_1054] : memref<8192xf32, #tpu.memory_space<vmem>>[vector<16xi32>], vector<16xf32>,
    %gt3A_1056 = arith.cmpf ogt, %gather3A_1055, %select_n3A_1046 : vector<16xf32>
    %gt3A_1057 = arith.cmpf ogt, %gather3A_1055, %select_n3A_1043 : vector<16xf32>
    %add3A_1058 = arith.constant 6 : i32
    %add3A_1059 = vector.broadcast %add3A_1058 : i32 to vector<16xi32>
    %add3A_1060 = arith.addi %broadcast_in_dim3A_5, %add3A_1059 : vector<16xi32>
    %select_n3A_1061 = arith.select %gt3A_1057, %gather3A_1055, %select_n3A_1043 : vector<16xi1>, vector<16xf32>
    %select_n3A_1062 = arith.select %gt3A_1056, %select_n3A_1046, %select_n3A_1061 : vector<16xi1>, vector<16xf32>
    %select_n3A_1063 = arith.select %gt3A_1057, %add3A_1060, %select_n3A_1045 : vector<16xi1>, vector<16xi32>
    %select_n3A_1064 = arith.select %gt3A_1056, %select_n3A_1047, %select_n3A_1063 : vector<16xi1>, vector<16xi32>
    %select_n3A_1065 = arith.select %gt3A_1056, %gather3A_1055, %select_n3A_1046 : vector<16xi1>, vector<16xf32>
    %select_n3A_1066 = arith.select %gt3A_1056, %add3A_1060, %select_n3A_1047 : vector<16xi1>, vector<16xi32>
    %mul3A_1067 = arith.constant 8 : i32
    %mul3A_1068 = vector.broadcast %mul3A_1067 : i32 to vector<16xi32>
    %mul3A_1069 = arith.muli %select_n3A_929, %mul3A_1068 : vector<16xi32>
    %add3A_1070 = arith.constant 15 : i32
    %add3A_1071 = vector.broadcast %add3A_1070 : i32 to vector<16xi32>
    %add3A_1072 = arith.addi %mul3A_1069, %add3A_1071 : vector<16xi32>
    %add3A_1073 = arith.addi %mul3A_847, %add3A_1072 : vector<16xi32>
    %gather3A_1074 = tpu.vector_load_idx %arg6[%add3A_1073] : memref<8192xf32, #tpu.memory_space<vmem>>[vector<16xi32>], vector<16xf32>,
    %gt3A_1075 = arith.cmpf ogt, %gather3A_1074, %select_n3A_1065 : vector<16xf32>
    %gt3A_1076 = arith.cmpf ogt, %gather3A_1074, %select_n3A_1062 : vector<16xf32>
    %add3A_1077 = arith.constant 7 : i32
    %add3A_1078 = vector.broadcast %add3A_1077 : i32 to vector<16xi32>
    %add3A_1079 = arith.addi %broadcast_in_dim3A_5, %add3A_1078 : vector<16xi32>
    %select_n3A_1080 = arith.select %gt3A_1076, %gather3A_1074, %select_n3A_1062 : vector<16xi1>, vector<16xf32>
    %select_n3A_1081 = arith.select %gt3A_1075, %select_n3A_1065, %select_n3A_1080 : vector<16xi1>, vector<16xf32>
    %select_n3A_1082 = arith.select %gt3A_1076, %add3A_1079, %select_n3A_1064 : vector<16xi1>, vector<16xi32>
    %select_n3A_1083 = arith.select %gt3A_1075, %select_n3A_1066, %select_n3A_1082 : vector<16xi1>, vector<16xi32>
    %select_n3A_1084 = arith.select %gt3A_1075, %gather3A_1074, %select_n3A_1065 : vector<16xi1>, vector<16xf32>
    %select_n3A_1085 = arith.select %gt3A_1075, %add3A_1079, %select_n3A_1066 : vector<16xi1>, vector<16xi32>
    %sub3A_1086 = arith.subf %select_n3A_1081, %select_n3A_1084 : vector<16xf32>
    %exp3A_1087 = math.exp %sub3A_1086 : vector<16xf32>
    %add3A_1088 = arith.constant 1.000000e+00 : f32
    %add3A_1089 = vector.broadcast %add3A_1088 : f32 to vector<16xf32>
    %add3A_1090 = arith.addf %add3A_1089, %exp3A_1087 : vector<16xf32>
    %div3A_1091 = arith.divf %exp3A_1087, %add3A_1090 : vector<16xf32>
    %sub3A_1092 = arith.constant 1.000000e+00 : f32
    %sub3A_1093 = vector.broadcast %sub3A_1092 : f32 to vector<16xf32>
    %sub3A_1094 = arith.subf %sub3A_1093, %div3A_1091 : vector<16xf32>
    %mul3A_1095 = arith.constant 2 : i32
    %mul3A_1096 = vector.broadcast %mul3A_1095 : i32 to vector<16xi32>
    %mul3A_1097 = arith.muli %add3A_844, %mul3A_1096 : vector<16xi32>
    %mul3A_1098 = arith.constant 8 : i32
    %mul3A_1099 = vector.broadcast %mul3A_1098 : i32 to vector<16xi32>
    %mul3A_1100 = arith.muli %select_n3A_929, %mul3A_1099 : vector<16xi32>
    %add3A_1101 = arith.addi %mul3A_1100, %select_n3A_1085 : vector<16xi32>
    tpu.vector_store_idx %arg7[%mul3A_1097], %add3A_1101 : memref<128xi32, #tpu.memory_space<vmem>>[vector<16xi32>], vector<16xi32>,
    %mul3A_1102 = arith.constant 2 : i32
    %mul3A_1103 = vector.broadcast %mul3A_1102 : i32 to vector<16xi32>
    %mul3A_1104 = arith.muli %add3A_844, %mul3A_1103 : vector<16xi32>
    %add3A_1105 = arith.constant 1 : i32
    %add3A_1106 = vector.broadcast %add3A_1105 : i32 to vector<16xi32>
    %add3A_1107 = arith.addi %mul3A_1104, %add3A_1106 : vector<16xi32>
    %mul3A_1108 = arith.constant 8 : i32
    %mul3A_1109 = vector.broadcast %mul3A_1108 : i32 to vector<16xi32>
    %mul3A_1110 = arith.muli %select_n3A_929, %mul3A_1109 : vector<16xi32>
    %add3A_1111 = arith.addi %mul3A_1110, %select_n3A_1083 : vector<16xi32>
    tpu.vector_store_idx %arg7[%add3A_1107], %add3A_1111 : memref<128xi32, #tpu.memory_space<vmem>>[vector<16xi32>], vector<16xi32>,
    %mul3A_1112 = arith.constant 2 : i32
    %mul3A_1113 = vector.broadcast %mul3A_1112 : i32 to vector<16xi32>
    %mul3A_1114 = arith.muli %add3A_844, %mul3A_1113 : vector<16xi32>
    tpu.vector_store_idx %arg8[%mul3A_1114], %sub3A_1094 : memref<128xf32, #tpu.memory_space<vmem>>[vector<16xi32>], vector<16xf32>,
    %mul3A_1115 = arith.constant 2 : i32
    %mul3A_1116 = vector.broadcast %mul3A_1115 : i32 to vector<16xi32>
    %mul3A_1117 = arith.muli %add3A_844, %mul3A_1116 : vector<16xi32>
    %add3A_1118 = arith.constant 1 : i32
    %add3A_1119 = vector.broadcast %add3A_1118 : i32 to vector<16xi32>
    %add3A_1120 = arith.addi %mul3A_1117, %add3A_1119 : vector<16xi32>
    tpu.vector_store_idx %arg8[%add3A_1120], %div3A_1091 : memref<128xf32, #tpu.memory_space<vmem>>[vector<16xi32>], vector<16xf32>,
    %swap3A_1121 = arith.constant 48 : index
    %swap3A_1122 = tpu.vector_load %arg9[%swap3A_1121] {strides = array<i32>} : memref<64xi32, #tpu.memory_space<vmem>>, vector<16xi32>,
    tpu.vector_store %arg9[%swap3A_1121], %select_n3A_929 {strides = array<i32>} : memref<64xi32, #tpu.memory_space<vmem>>, vector<16xi32>,
    %mul3A_1123 = arith.constant 2 : i32
    %mul3A_1124 = arith.muli %mul3A_2, %mul3A_1123 : i32
    "tpu.region"() ({
      %run_scoped3A = tpu.sem_alloc : memref<!tpu.dma_semaphore, #tpu.memory_space<semaphore_mem>>
      %dma_start3A = tpu.memref_slice %arg3[%mul3A_1124] : memref<4096xi32, #tpu.memory_space<hbm>> -> memref<128xi32, #tpu.memory_space<hbm>>
      %dma_start3A_1127 = tpu.memref_slice %arg3[%mul3A_1124] : memref<4096xi32, #tpu.memory_space<hbm>> -> memref<128xi32, #tpu.memory_space<hbm>>
      tpu.enqueue_dma source(%arg7 : memref<128xi32, #tpu.memory_space<vmem>>) target(%dma_start3A_1127 : memref<128xi32, #tpu.memory_space<hbm>>) target_semaphore(%run_scoped3A : memref<!tpu.dma_semaphore, #tpu.memory_space<semaphore_mem>>)
      %dma_wait3A = tpu.memref_slice %arg3[%mul3A_1124] : memref<4096xi32, #tpu.memory_space<hbm>> -> memref<128xi32, #tpu.memory_space<hbm>>
      %dma_wait3A_1128 = tpu.memref_slice %arg3[%mul3A_1124] : memref<4096xi32, #tpu.memory_space<hbm>> -> memref<128xi32, #tpu.memory_space<hbm>>
      tpu.wait_dma2 semaphore(%run_scoped3A : memref<!tpu.dma_semaphore, #tpu.memory_space<semaphore_mem>>) src(%arg7 : memref<128xi32, #tpu.memory_space<vmem>>) dst(%dma_wait3A_1128 : memref<128xi32, #tpu.memory_space<hbm>>)
      tpu.yield
    }) : () -> ()
    %mul3A_1125 = arith.constant 2 : i32
    %mul3A_1126 = arith.muli %mul3A_2, %mul3A_1125 : i32
    "tpu.region"() ({
      %run_scoped3A = tpu.sem_alloc : memref<!tpu.dma_semaphore, #tpu.memory_space<semaphore_mem>>
      %dma_start3A = tpu.memref_slice %arg4[%mul3A_1126] : memref<4096xf32, #tpu.memory_space<hbm>> -> memref<128xf32, #tpu.memory_space<hbm>>
      %dma_start3A_1127 = tpu.memref_slice %arg4[%mul3A_1126] : memref<4096xf32, #tpu.memory_space<hbm>> -> memref<128xf32, #tpu.memory_space<hbm>>
      tpu.enqueue_dma source(%arg8 : memref<128xf32, #tpu.memory_space<vmem>>) target(%dma_start3A_1127 : memref<128xf32, #tpu.memory_space<hbm>>) target_semaphore(%run_scoped3A : memref<!tpu.dma_semaphore, #tpu.memory_space<semaphore_mem>>)
      %dma_wait3A = tpu.memref_slice %arg4[%mul3A_1126] : memref<4096xf32, #tpu.memory_space<hbm>> -> memref<128xf32, #tpu.memory_space<hbm>>
      %dma_wait3A_1128 = tpu.memref_slice %arg4[%mul3A_1126] : memref<4096xf32, #tpu.memory_space<hbm>> -> memref<128xf32, #tpu.memory_space<hbm>>
      tpu.wait_dma2 semaphore(%run_scoped3A : memref<!tpu.dma_semaphore, #tpu.memory_space<semaphore_mem>>) src(%arg8 : memref<128xf32, #tpu.memory_space<vmem>>) dst(%dma_wait3A_1128 : memref<128xf32, #tpu.memory_space<hbm>>)
      tpu.yield
    }) : () -> ()
    "tpu.region"() ({
      %run_scoped3A = tpu.sem_alloc : memref<!tpu.dma_semaphore, #tpu.memory_space<semaphore_mem>>
      %dma_start3A = tpu.memref_slice %arg5[%mul3A_2] : memref<2048xi32, #tpu.memory_space<hbm>> -> memref<64xi32, #tpu.memory_space<hbm>>
      %dma_start3A_1127 = tpu.memref_slice %arg5[%mul3A_2] : memref<2048xi32, #tpu.memory_space<hbm>> -> memref<64xi32, #tpu.memory_space<hbm>>
      tpu.enqueue_dma source(%arg9 : memref<64xi32, #tpu.memory_space<vmem>>) target(%dma_start3A_1127 : memref<64xi32, #tpu.memory_space<hbm>>) target_semaphore(%run_scoped3A : memref<!tpu.dma_semaphore, #tpu.memory_space<semaphore_mem>>)
      %dma_wait3A = tpu.memref_slice %arg5[%mul3A_2] : memref<2048xi32, #tpu.memory_space<hbm>> -> memref<64xi32, #tpu.memory_space<hbm>>
      %dma_wait3A_1128 = tpu.memref_slice %arg5[%mul3A_2] : memref<2048xi32, #tpu.memory_space<hbm>> -> memref<64xi32, #tpu.memory_space<hbm>>
      tpu.wait_dma2 semaphore(%run_scoped3A : memref<!tpu.dma_semaphore, #tpu.memory_space<semaphore_mem>>) src(%arg9 : memref<64xi32, #tpu.memory_space<vmem>>) dst(%dma_wait3A_1128 : memref<64xi32, #tpu.memory_space<hbm>>)
      tpu.yield
    }) : () -> ()
    return
  }
}

module attributes {stable_mosaic.version = 14 : i64} {
  func.func @_score_body(%arg0: i32, %arg1: memref<512x1024xf32, #tpu.memory_space<vmem>>, %arg2: memref<1024x128xf32, #tpu.memory_space<vmem>>, %arg3: memref<8x128xf32, #tpu.memory_space<vmem>>, %arg4: memref<512x128xf32, #tpu.memory_space<vmem>>) attributes {dimension_semantics = [#tpu.dimension_semantics<arbitrary>], iteration_bounds = array<i64: 4>, scalar_prefetch = 0 : i64, scratch_operands = 0 : i64, tpu.core_type = #tpu.core_type<tc>, window_params = [{transform_indices = @transform_0, window_bounds = array<i64: 512, 1024>}, {pipeline_mode = #tpu.pipeline_mode<synchronous>, transform_indices = @transform_1, window_bounds = array<i64: 1024, 128>}, {pipeline_mode = #tpu.pipeline_mode<synchronous>, transform_indices = @transform_2, window_bounds = array<i64: 8, 128>}, {transform_indices = @transform_3, window_bounds = array<i64: 512, 128>}]} {
    %get3A = arith.constant 0 : index
    %get3A_0 = arith.constant 0 : index
    %get3A_1 = vector.load %arg1[%get3A, %get3A_0] : memref<512x1024xf32, #tpu.memory_space<vmem>>, vector<512x1024xf32>
    %get3A_2 = arith.constant 0 : index
    %get3A_3 = arith.constant 0 : index
    %get3A_4 = vector.load %arg2[%get3A_2, %get3A_3] : memref<1024x128xf32, #tpu.memory_space<vmem>>, vector<1024x128xf32>
    %dot_general3A = arith.constant dense<0.000000e+00> : vector<512x128xf32>
    %dot_general3A_5 = tpu.matmul %get3A_1, %get3A_4, %dot_general3A {dimension_numbers = #tpu.dot_dimension_numbers<[1], [0], [0], [1], [0, 0, 1, 1], [], []>, transpose_lhs_hint = false} : vector<512x1024xf32>, vector<1024x128xf32>, vector<512x128xf32> -> vector<512x128xf32>
    %get3A_6 = arith.constant 0 : index
    %get3A_7 = arith.constant 0 : index
    %get3A_8 = vector.load %arg3[%get3A_6, %get3A_7] : memref<8x128xf32, #tpu.memory_space<vmem>>, vector<1x128xf32>
    %add3A = vector.broadcast %get3A_8 : vector<1x128xf32> to vector<512x128xf32>
    %add3A_9 = arith.addf %dot_general3A_5, %add3A : vector<512x128xf32>
    %swap3A = arith.constant 0 : index
    %swap3A_10 = arith.constant 0 : index
    %swap3A_11 = vector.load %arg4[%swap3A, %swap3A_10] : memref<512x128xf32, #tpu.memory_space<vmem>>, vector<512x128xf32>
    tpu.vector_store %arg4[%swap3A, %swap3A_10], %add3A_9 {strides = array<i32>} : memref<512x128xf32, #tpu.memory_space<vmem>>, vector<512x128xf32>,
    return
  }
  func.func @transform_0(%arg0: i32) -> (i32, i32) {
    %c0_i32 = arith.constant 0 : i32
    %c0_i32_0 = arith.constant 0 : i32
    return %arg0, %c0_i32 : i32, i32
  }
  func.func @transform_1(%arg0: i32) -> (i32, i32) {
    %c0_i32 = arith.constant 0 : i32
    %c0_i32_0 = arith.constant 0 : i32
    %c0_i32_1 = arith.constant 0 : i32
    return %c0_i32, %c0_i32_0 : i32, i32
  }
  func.func @transform_2(%arg0: i32) -> (i32, i32) {
    %c0_i32 = arith.constant 0 : i32
    %c0_i32_0 = arith.constant 0 : i32
    %c0_i32_1 = arith.constant 0 : i32
    return %c0_i32, %c0_i32_0 : i32, i32
  }
  func.func @transform_3(%arg0: i32) -> (i32, i32) {
    %c0_i32 = arith.constant 0 : i32
    %c0_i32_0 = arith.constant 0 : i32
    return %arg0, %c0_i32 : i32, i32
  }
}

module attributes {stable_mosaic.version = 14 : i64} {
  func.func @_expert_body(%arg0: i32, %arg1: memref<512x1024xf32, #tpu.memory_space<vmem>>, %arg2: memref<1024x1024xf32, #tpu.memory_space<vmem>>, %arg3: memref<1024x1024xf32, #tpu.memory_space<vmem>>, %arg4: memref<512x2xi32, #tpu.memory_space<vmem>>, %arg5: memref<512x2xf32, #tpu.memory_space<vmem>>, %arg6: memref<512x1024xf32, #tpu.memory_space<vmem>>) attributes {dimension_semantics = [#tpu.dimension_semantics<arbitrary>], iteration_bounds = array<i64: 4>, scalar_prefetch = 0 : i64, scratch_operands = 0 : i64, tpu.core_type = #tpu.core_type<tc>, window_params = [{transform_indices = @transform_0, window_bounds = array<i64: 512, 1024>}, {pipeline_mode = #tpu.pipeline_mode<synchronous>, transform_indices = @transform_1, window_bounds = array<i64: 1024, 1024>}, {pipeline_mode = #tpu.pipeline_mode<synchronous>, transform_indices = @transform_2, window_bounds = array<i64: 1024, 1024>}, {transform_indices = @transform_3, window_bounds = array<i64: 512, 2>}, {transform_indices = @transform_4, window_bounds = array<i64: 512, 2>}, {transform_indices = @transform_5, window_bounds = array<i64: 512, 1024>}]} {
    %get3A = arith.constant 0 : index
    %get3A_0 = arith.constant 0 : index
    %get3A_1 = vector.load %arg1[%get3A, %get3A_0] : memref<512x1024xf32, #tpu.memory_space<vmem>>, vector<512x1024xf32>
    %get3A_2 = arith.constant 0 : index
    %get3A_3 = arith.constant 0 : index
    %get3A_4 = vector.load %arg2[%get3A_2, %get3A_3] : memref<1024x1024xf32, #tpu.memory_space<vmem>>, vector<1024x1024xf32>
    %dot_general3A = arith.constant dense<0.000000e+00> : vector<512x1024xf32>
    %dot_general3A_5 = tpu.matmul %get3A_1, %get3A_4, %dot_general3A {dimension_numbers = #tpu.dot_dimension_numbers<[1], [0], [0], [1], [0, 0, 1, 1], [], []>, transpose_lhs_hint = false} : vector<512x1024xf32>, vector<1024x1024xf32>, vector<512x1024xf32> -> vector<512x1024xf32>
    %max3A = arith.constant 0.000000e+00 : f32
    %max3A_6 = vector.broadcast %max3A : f32 to vector<512x1024xf32>
    %max3A_7 = arith.maximumf %dot_general3A_5, %max3A_6 : vector<512x1024xf32>
    %get3A_8 = arith.constant 0 : index
    %get3A_9 = arith.constant 0 : index
    %get3A_10 = vector.load %arg4[%get3A_8, %get3A_9] : memref<512x2xi32, #tpu.memory_space<vmem>>, vector<512x1xi32>
    %get3A_11 = arith.constant 0 : index
    %get3A_12 = arith.constant 1 : index
    %get3A_13 = vector.load %arg4[%get3A_11, %get3A_12] : memref<512x2xi32, #tpu.memory_space<vmem>>, vector<512x1xi32>
    %get3A_14 = arith.constant 0 : index
    %get3A_15 = arith.constant 0 : index
    %get3A_16 = vector.load %arg5[%get3A_14, %get3A_15] : memref<512x2xf32, #tpu.memory_space<vmem>>, vector<512x1xf32>
    %get3A_17 = arith.constant 0 : index
    %get3A_18 = arith.constant 1 : index
    %get3A_19 = vector.load %arg5[%get3A_17, %get3A_18] : memref<512x2xf32, #tpu.memory_space<vmem>>, vector<512x1xf32>
    %iota3A = tpu.iota {dimensions = array<i32: 1>} : vector<512x1024xi32>
    %jit3A = arith.constant 16 : i32
    %div3A = vector.broadcast %jit3A : i32 to vector<512x1024xi32>
    %div3A_20 = arith.divsi %iota3A, %div3A : vector<512x1024xi32>
    %sign3A = arith.constant 0 : i32
    %sign3A_21 = vector.broadcast %sign3A : i32 to vector<512x1024xi32>
    %sign3A_22 = arith.cmpi sgt, %iota3A, %sign3A_21 : vector<512x1024xi32>
    %sign3A_23 = arith.extui %sign3A_22 : vector<512x1024xi1> to vector<512x1024xi32>
    %sign3A_24 = arith.constant 0 : i32
    %sign3A_25 = vector.broadcast %sign3A_24 : i32 to vector<512x1024xi32>
    %sign3A_26 = arith.cmpi slt, %iota3A, %sign3A_25 : vector<512x1024xi32>
    %sign3A_27 = arith.extui %sign3A_26 : vector<512x1024xi1> to vector<512x1024xi32>
    %sign3A_28 = arith.subi %sign3A_23, %sign3A_27 : vector<512x1024xi32>
    %sign3A_29 = arith.constant 0 : i32
    %sign3A_30 = arith.cmpi sgt, %jit3A, %sign3A_29 : i32
    %sign3A_31 = arith.extui %sign3A_30 : i1 to i32
    %sign3A_32 = arith.constant 0 : i32
    %sign3A_33 = arith.cmpi slt, %jit3A, %sign3A_32 : i32
    %sign3A_34 = arith.extui %sign3A_33 : i1 to i32
    %sign3A_35 = arith.subi %sign3A_31, %sign3A_34 : i32
    %ne3A = vector.broadcast %sign3A_35 : i32 to vector<512x1024xi32>
    %ne3A_36 = arith.cmpi ne, %sign3A_28, %ne3A : vector<512x1024xi32>
    %rem3A = vector.broadcast %jit3A : i32 to vector<512x1024xi32>
    %rem3A_37 = arith.remsi %iota3A, %rem3A : vector<512x1024xi32>
    %ne3A_38 = arith.constant 0 : i32
    %ne3A_39 = vector.broadcast %ne3A_38 : i32 to vector<512x1024xi32>
    %ne3A_40 = arith.cmpi ne, %rem3A_37, %ne3A_39 : vector<512x1024xi32>
    %and3A = arith.andi %ne3A_36, %ne3A_40 : vector<512x1024xi1>
    %sub3A = arith.constant 1 : i32
    %sub3A_41 = vector.broadcast %sub3A : i32 to vector<512x1024xi32>
    %sub3A_42 = arith.subi %div3A_20, %sub3A_41 : vector<512x1024xi32>
    %select_n3A = arith.select %and3A, %sub3A_42, %div3A_20 : vector<512x1024xi1>, vector<512x1024xi32>
    %eq3A = vector.broadcast %get3A_10 : vector<512x1xi32> to vector<512x1024xi32>
    %eq3A_43 = arith.cmpi eq, %select_n3A, %eq3A : vector<512x1024xi32>
    %jit3A_44 = arith.constant 0.000000e+00 : f32
    %broadcast_in_dim3A = vector.shape_cast %get3A_16 : vector<512x1xf32> to vector<512x1xf32>
    %broadcast_in_dim3A_45 = vector.broadcast %broadcast_in_dim3A : vector<512x1xf32> to vector<512x1024xf32>
    %broadcast_in_dim3A_46 = vector.broadcast %jit3A_44 : f32 to vector<512x1024xf32>
    %select_n3A_47 = arith.select %eq3A_43, %broadcast_in_dim3A_45, %broadcast_in_dim3A_46 : vector<512x1024xi1>, vector<512x1024xf32>
    %eq3A_48 = vector.broadcast %get3A_13 : vector<512x1xi32> to vector<512x1024xi32>
    %eq3A_49 = arith.cmpi eq, %select_n3A, %eq3A_48 : vector<512x1024xi32>
    %jit3A_50 = arith.constant 0.000000e+00 : f32
    %broadcast_in_dim3A_51 = vector.shape_cast %get3A_19 : vector<512x1xf32> to vector<512x1xf32>
    %broadcast_in_dim3A_52 = vector.broadcast %broadcast_in_dim3A_51 : vector<512x1xf32> to vector<512x1024xf32>
    %broadcast_in_dim3A_53 = vector.broadcast %jit3A_50 : f32 to vector<512x1024xf32>
    %select_n3A_54 = arith.select %eq3A_49, %broadcast_in_dim3A_52, %broadcast_in_dim3A_53 : vector<512x1024xi1>, vector<512x1024xf32>
    %add3A = arith.addf %select_n3A_47, %select_n3A_54 : vector<512x1024xf32>
    %mul3A = arith.mulf %max3A_7, %add3A : vector<512x1024xf32>
    %get3A_55 = arith.constant 0 : index
    %get3A_56 = arith.constant 0 : index
    %get3A_57 = vector.load %arg3[%get3A_55, %get3A_56] : memref<1024x1024xf32, #tpu.memory_space<vmem>>, vector<1024x1024xf32>
    %dot_general3A_58 = arith.constant dense<0.000000e+00> : vector<512x1024xf32>
    %dot_general3A_59 = tpu.matmul %mul3A, %get3A_57, %dot_general3A_58 {dimension_numbers = #tpu.dot_dimension_numbers<[1], [0], [0], [1], [0, 0, 1, 1], [], []>, transpose_lhs_hint = false} : vector<512x1024xf32>, vector<1024x1024xf32>, vector<512x1024xf32> -> vector<512x1024xf32>
    %swap3A = arith.constant 0 : index
    %swap3A_60 = arith.constant 0 : index
    %swap3A_61 = vector.load %arg6[%swap3A, %swap3A_60] : memref<512x1024xf32, #tpu.memory_space<vmem>>, vector<512x1024xf32>
    tpu.vector_store %arg6[%swap3A, %swap3A_60], %dot_general3A_59 {strides = array<i32>} : memref<512x1024xf32, #tpu.memory_space<vmem>>, vector<512x1024xf32>,
    return
  }
  func.func @transform_0(%arg0: i32) -> (i32, i32) {
    %c0_i32 = arith.constant 0 : i32
    %c0_i32_0 = arith.constant 0 : i32
    return %arg0, %c0_i32 : i32, i32
  }
  func.func @transform_1(%arg0: i32) -> (i32, i32) {
    %c0_i32 = arith.constant 0 : i32
    %c0_i32_0 = arith.constant 0 : i32
    %c0_i32_1 = arith.constant 0 : i32
    return %c0_i32, %c0_i32_0 : i32, i32
  }
  func.func @transform_2(%arg0: i32) -> (i32, i32) {
    %c0_i32 = arith.constant 0 : i32
    %c0_i32_0 = arith.constant 0 : i32
    %c0_i32_1 = arith.constant 0 : i32
    return %c0_i32, %c0_i32_0 : i32, i32
  }
  func.func @transform_3(%arg0: i32) -> (i32, i32) {
    %c0_i32 = arith.constant 0 : i32
    %c0_i32_0 = arith.constant 0 : i32
    return %arg0, %c0_i32 : i32, i32
  }
  func.func @transform_4(%arg0: i32) -> (i32, i32) {
    %c0_i32 = arith.constant 0 : i32
    %c0_i32_0 = arith.constant 0 : i32
    return %arg0, %c0_i32 : i32, i32
  }
  func.func @transform_5(%arg0: i32) -> (i32, i32) {
    %c0_i32 = arith.constant 0 : i32
    %c0_i32_0 = arith.constant 0 : i32
    return %arg0, %c0_i32 : i32, i32
  }
}

</mosaic_0001>

<sc_bundles>
// kernel: kernel.5.cloned.1.call-start
scs
__scs_entry_jumppad:
0x0: {  	(pc) =	sbr.rel $0x88, $3  }
0x1: {  	(tag) =	ssettag $0x0;
	lr =	simm.s32 $0x1  }
0x2: {  	[smem:$0x3F9A] =	sst lr;
	_ =	strace $0xD0000000  }
0x3: {  	_ = 	snop  }
0x4: {  	_ = 	snop  }
0x5: {  	_ = 	snop  }
0x6: {  	_ = 	snop  }
0x7: {  	_ = 	snop  }
__scs_overlays_trampoline_lowered:
0x8: {  	[smem:$0x3FA9] =	sst s0  }
0x9: {  	[smem:$0x3FAA] =	sst s1  }
0xa: {  	[smem:$0x3FAB] =	sst s2  }
0xb: {  	[smem:$0x3FAC] =	sst s3  }
0xc: {  	[smem:$0x3FAD] =	sst s4  }
0xd: {  	[smem:$0x3FAE] =	sst s5  }
0xe: {  	[smem:$0x3FAF] =	sst s6  }
0xf: {  	[smem:$0x3FB0] =	sst s7  }
0x10: {  	[smem:$0x3FB1] =	sst s8  }
0x11: {  	[smem:$0x3FB2] =	sst s9;
	s0 =	simm.s32 @!p0 $0x0  }
0x12: {  	s1 =	sld [smem:$0x3F98];
	s0 =	simm.s32 @p0 $0x1  }
0x13: {  	[smem:$0x3FB3] =	sst s0;
	s0 =	simm.s32 @!p1 $0x0  }
0x14: {  	s2 =	sld [smem:$0x3F97];
	s0 =	simm.s32 @p1 $0x1  }
0x15: {  	[smem:$0x3FB4] =	sst s0;
	s0 =	simm.s32 @!p2 $0x0  }
0x16: {  	s3 =	sld [smem:$0x3FDB];
	s0 =	simm.s32 @p2 $0x1  }
0x17: {  	s4 =	simm.s32 $0x1BF5;
	[smem:$0x3FB6] =	sst s0  }
0x18: {  	s0 =	sld [smem:$0x3F99];
	_ =	swait.ge [sflag:s4], $0x0  }
0x19: {  	s7 =	sld [smem:$0x3F9A]  }
0x1a: {  	s8 =	sadd.s32 $0xFFFFE003, lr  }
0x1b: {  	s9 =	sadd.s32 $0xFFFFFEF7, lr;
	s5 =	simm.s32 $0xFFFFFFFF;
	p2 =	slt.u32 s8, $0xFFFFF086  }
0x1c: {  	p1 =	slt.u32 s9, $0xF7A;
	s5 =	simm.s32 @!p2 $0x0  }
0x1d: {  	s5 =	simm.s32 @p1 $0x1;
	p0 =	seq.s32 s7, s2  }
0x1e: {  	s7 =	smul.u32 @!p0 $0xF7A, s2;
	p2 =	seq.s32 @!p0 s5, $0x0  }
0x1f: {  	s9 =	smul.u32 $0xF7A, s1;
	s8 =	simm.s32 @!p0 $0x1BF5;
	p2 =	por !p2, p0  }
0x20: {  	[sflag:s8] =	ssyncset.s32 @!p0 $0xFFFFF086;
	s6 =	sadd.s32 @!p0 s3, s7;
	s7 =	simm.s32 @!p0 $0x108  }
0x21: {  	s3 =	sadd.s32 s3, s9;
	s6 =	sadd.s32 @!p0 $0x88, s6;
	s7 =	simm.s32 @p2 $0x1082  }
0x22: {  	[simem:s7], [sflag:s8] =	dma.local @!p0 [hbm:s6], $0xF7A  }
0x23: {  	s9 =	sor.u32 $0xD0000000, s2;
	s6 =	simm.s32 $0x108;
	_ =	swait.ge @!p0 [sflag:s8], $0x0  }
0x24: {  	s3 =	sadd.s32 $0x88, s3;
	s6 =	simm.s32 @!p1 $0x1082;
	[sflag:s4] =	ssyncset.s32 $0xFFFFF086  }
0x25: {  	[simem:s6], [sflag:s4] =	dma.local [hbm:s3], $0xF7A  }
0x26: {  	[smem:$0x3F9A] =	sst s1;
	(tag) =	ssettag s2;
	_ =	strace s9  }
0x27: {  	s1 =	sld [smem:$0x3FAA]  }
0x28: {  	s2 =	sld [smem:$0x3FAB]  }
0x29: {  	s4 =	sld [smem:$0x3FAD]  }
0x2a: {  	p0 =	seq.s32 s5, $0x0;
	s5 =	sld [smem:$0x3FAE]  }
0x2b: {  	s6 =	sld [smem:$0x3FAF]  }
0x2c: {  	s7 =	sld [smem:$0x3FB0]  }
0x2d: {  	s3 =	simm.s32 $0x108;
	s8 =	sld [smem:$0x3FB1]  }
0x2e: {  	s3 =	simm.s32 @!p0 $0x1082;
	s9 =	sld [smem:$0x3FB2]  }
0x2f: {  	lr =	sadd.s32 s0, s3;
	s0 =	sld [smem:$0x3FA9]  }
0x30: {  	s3 =	sld [smem:$0x3FAC]  }
0x31: {  	[smem:$0x3FB5] =	sst s10  }
0x32: {  	s10 =	sld [smem:$0x3FB3];
	_ =	sdelay $0x3  }
0x33: {  	p0 =	seq.s32 s10, $0x1;
	s10 =	sld [smem:$0x3FB5];
	_ =	sdelay $0x3  }
0x34: {  	[smem:$0x3FB5] =	sst s10  }
0x35: {  	s10 =	sld [smem:$0x3FB4];
	_ =	sdelay $0x3  }
0x36: {  	p1 =	seq.s32 s10, $0x1;
	s10 =	sld [smem:$0x3FB5];
	_ =	sdelay $0x3  }
0x37: {  	[smem:$0x3FB5] =	sst s10  }
0x38: {  	s10 =	sld [smem:$0x3FB6]  }
0x39: {  	_ = 	snop;
	(pc) =	sbr.ind lr, $3  }
0x3a: {  	_ = 	snop  }
0x3b: {  	_ = 	snop  }
0x3c: {  	p2 =	seq.s32 s10, $0x1;
	s10 =	sld [smem:$0x3FB5]  }
0x3d: {  	_ =	shalt  }
0x3e: {  	_ =	shalt  }
0x3f: {  	_ =	shalt  }
0x40: {  	_ =	shalt  }
0x41: {  	_ =	shalt  }
0x42: {  	_ =	shalt  }
0x43: {  	_ =	shalt  }
0x44: {  	_ =	shalt  }
0x45: {  	_ =	shalt  }
0x46: {  	_ =	shalt  }
0x47: {  	_ =	shalt  }
0x48: {  	_ =	shalt  }
0x49: {  	_ =	shalt  }
0x4a: {  	_ =	shalt  }
0x4b: {  	_ =	shalt  }
0x4c: {  	_ =	shalt  }
0x4d: {  	_ =	shalt  }
0x4e: {  	_ =	shalt  }
0x4f: {  	_ =	shalt  }
0x50: {  	_ =	shalt  }
0x51: {  	_ =	shalt  }
0x52: {  	_ =	shalt  }
0x53: {  	_ =	shalt  }
0x54: {  	_ =	shalt  }
0x55: {  	_ =	shalt  }
0x56: {  	_ =	shalt  }
0x57: {  	_ =	shalt  }
0x58: {  	_ =	shalt  }
0x59: {  	_ =	shalt  }
0x5a: {  	_ =	shalt  }
0x5b: {  	_ =	shalt  }
0x5c: {  	_ =	shalt  }
0x5d: {  	_ =	shalt  }
0x5e: {  	_ =	shalt  }
0x5f: {  	_ =	shalt  }
0x60: {  	_ =	shalt  }
0x61: {  	_ =	shalt  }
0x62: {  	_ =	shalt  }
0x63: {  	_ =	shalt  }
0x64: {  	_ =	shalt  }
0x65: {  	_ =	shalt  }
0x66: {  	_ =	shalt  }
0x67: {  	_ =	shalt  }
0x68: {  	_ =	shalt  }
0x69: {  	_ =	shalt  }
0x6a: {  	_ =	shalt  }
0x6b: {  	_ =	shalt  }
0x6c: {  	_ =	shalt  }
0x6d: {  	_ =	shalt  }
0x6e: {  	_ =	shalt  }
0x6f: {  	_ =	shalt  }
0x70: {  	_ =	shalt  }
0x71: {  	_ =	shalt  }
0x72: {  	_ =	shalt  }
0x73: {  	_ =	shalt  }
0x74: {  	_ =	shalt  }
0x75: {  	_ =	shalt  }
0x76: {  	_ =	shalt  }
0x77: {  	_ =	shalt  }
0x78: {  	_ =	shalt  }
0x79: {  	_ =	shalt  }
0x7a: {  	_ =	shalt  }
0x7b: {  	_ =	shalt  }
0x7c: {  	_ =	shalt  }
0x7d: {  	_ =	shalt  }
0x7e: {  	_ =	shalt  }
0x7f: {  	_ =	shalt  }
0x80: {  	_ =	shalt  }
0x81: {  	_ =	shalt  }
0x82: {  	_ =	shalt  }
0x83: {  	_ =	shalt  }
0x84: {  	_ =	shalt  }
0x85: {  	_ =	shalt  }
0x86: {  	_ =	shalt  }
0x87: {  	_ =	shalt  }
.Lfunc_end0:
.L_simem_size_0:
called_computation_lowered:
.L_overlay_start_0:
0x88: {  	s2 =	sld [smem:$0x3FD9]  }
0x89: {  	s3 =	sld [smem:$0x3FFE];
	_ =	sdelay $0x1  }
0x8a: {  	s1 =	srdreg.scid  }
0x8b: {  	s0 =	sand.u32 $0x1, s1  }
0x8c: {  	s15 =	sshll.u32 s0, $0xA;
	s2 =	sadd.s32 s3, s2  }
0x8d: {  	s2 =	sadd.s32 s2, s15  }
0x8e: {  	[smem:$0x3FC1] =	sst s2  }
0x8f: {  	_ = 	snop  }
0x90: {  	s2 =	sld [smem:$0x3FD0];
	_ =	sdelay $0x2  }
0x91: {  	s16 =	simm.s32 $0xA;
	s4 =	simm.s32 $0x10  }
0x92: {  	[smem:s4], [sflag:s16] =	dma.local [hbm:s2], $0x1  }
0x93: {  	_ =	swait.eq [sflag:s16], $0x1  }
0x94: {  	s17 =	sld [smem:$0x10]  }
0x95: {  	s18 =	sld [smem:$0x11];
	[sflag:s16] =	ssyncset.done $0x0  }
0x96: {  	s5 =	sld [smem:$0x12];
	[sflag:s16] =	ssyncadd.s32 $0xFFFFFFFF  }
0x97: {  	s19 =	sld [smem:$0x13];
	(tm) =	ssettm $0x1  }
0x98: {  	s6 =	sld [smem:$0x3FFB];
	_ =	sdelay $0x3  }
0x99: {  	_ =	strace s6  }
0x9a: {  	s6 =	sld [smem:$0x3FFC];
	_ =	sdelay $0x3  }
0x9b: {  	_ =	strace s6  }
0x9c: {  	s6 =	sld [smem:$0x3FFD];
	_ =	sdelay $0x3  }
0x9d: {  	_ =	strace s6  }
0x9e: {  	_ =	strace $0x8FFFFFFF  }
0x9f: {  	s20 =	sld [smem:$0x3FDB];
	_ =	sdelay $0x1  }
0xa0: {  	s7 =	simm.s32 $_scs_section_size  }
0xa1: {  	s8 =	simm.s32 $_size__tile_overlayer_lowered;
	s9 =	simm.s32 $_tile_overlayer_lowered  }
0xa2: {  	s23 =	simm.s32 $0x1BFF;
	s22 =	sshll.u32 s9, $0x1;
	s6 =	sadd.s32 s7, s20  }
0xa3: {  	s10 =	simm.s32 $0x0;
	s21 =	sshll.u32 s8, $0x1;
	s8 =	sadd.s32 s22, s6  }
0xa4: {  	[timem:s10], [sflag:s23] =	dma.local [hbm:s8], s21  }
0xa5: {  	_ =	swait.ge [sflag:s23], s21  }
0xa6: {  	s7 =	ssub.s32 $0x0, s21;
	[sflag:s23] =	ssyncset.done $0x0  }
0xa7: {  	[sflag:s23] =	ssyncadd.s32 s7;
	_ =	sdelay $0x1  }
0xa8: {  	s24 =	simm.s32 $0x1B8B  }
0xa9: {  	_ =	swait.ge [sflag:s24], $0x1  }
0xaa: {  	[sflag:s24] =	ssyncset.done $0x0  }
0xab: {  	s25 =	simm.s32 $0x1B8E;
	[sflag:s24] =	ssyncadd.s32 $0xFFFFFFFF  }
0xac: {  	s26 =	simm.s32 $execute0_lowered;
	[smem:$0x3FD2] =	sst s25  }
0xad: {  	s7 =	sshll.u32 s26, $0x1;
	_ =	strace $0x80000046;
	[dreg:$0x1] =	wrdreg $0xFFFFFFFF  }
0xae: {  	s28 =	simm.s32 $_size_execute0_lowered;
	s6 =	sadd.s32 s6, s7;
	[dreg:$0x0] =	wrdreg $0x0  }
0xaf: {  	s7 =	sshll.u32 s28, $0x1;
	[dreg:$0x2] =	wrdreg s6  }
0xb0: {  	[dreg:$0x3] =	wrdreg s7  }
0xb1: {  	[dreg:$0x4] =	wrdreg $0xC0  }
0xb2: {  	_ =	task [dreg:s10], $0x5FFFF  }
0xb3: {  	[dreg:$0x1] =	wrdreg $0xFFFFFFFF  }
0xb4: {  	[dreg:$0x0] =	wrdreg $0x60  }
0xb5: {  	[dreg:$0x2] =	wrdreg s17  }
0xb6: {  	[dreg:$0x3] =	wrdreg s5  }
0xb7: {  	[dreg:$0x4] =	wrdreg s18  }
0xb8: {  	[dreg:$0x5] =	wrdreg s19  }
0xb9: {  	[dreg:$0x6] =	wrdreg $0x9  }
0xba: {  	_ =	task.clear_ibuf [dreg:s10], $0x7FFFF;
	_ =	strace $0x90000046  }
0xbb: {  	s29 =	simm.s32 $0x9;
	_ =	strace $0x80000048  }
0xbc: {  	_ =	swait.ge [sflag:s29], $0x1  }
0xbd: {  	[sflag:s29] =	ssyncadd.s32 $0xFFFFFFFF  }
0xbe: {  	_ =	strace $0x90000048  }
0xbf: {  	_ =	sfence  }
0xc0: {  	s30 =	sld [smem:$0x0];
	_ =	sdelay $0x2  }
0xc1: {  	s31 =	sshll.u32 s1, $0xD;
	s1 =	sshrl.u32 s1, $0x2  }
0xc2: {  	s3 =	sand.u32 $0x4000, s31;
	s1 =	sadd.s32 s1, s30  }
0xc3: {  	s0 =	sor.u32 s3, s0;
	s1 =	sshll.u32 s1, $0x11  }
0xc4: {  	s0 =	sor.u32 s1, s0  }
0xc5: {  	s0 =	sadd.s32 $0x8F2B, s0  }
0xc6: {  	[sflag:s0] =	ssyncadd.remote.s32 $0x1  }
0xc7: {  	_ =	sfence.sel $0xFFFF  }
0xc8: {  	[dreg:$0x0] =	wrdreg $0xFFFFFFFF;
	(pc) =	sbr.abs _section_cstart, $3  }
0xc9: {  	[dreg:$0x1] =	wrdreg $0xFFFFFFFF  }
0xca: {  	_ =	task.clear_ibuf [dreg:s10], $0x2FFFF;
	_ =	strace $0x9FFFFFFF  }
0xcb: {  	(tm) =	ssettm $0x7FFFFFFF  }
tec
execute0_lowered:
.L_overlay_start_1:
0x0: {  	(tag) =	ssettag $0x1  }
0x1: {  	v14 =	vlaneseq.u32  }
0x2: {  	v0 =	vmul.u32 $0x80, v14  }
0x3: {  	v2 =	vimm.s32 $0x0;
	v14 =	vmul.u32 $0x2, v14  }
0x4: {  	v1 =	vor.u32 $0x1, v0;
	v10 =	vor.u32 $0x9, v0;
	v11 =	vor.u32 $0xA, v0  }
0x5: {  	v12 =	vor.u32 $0xB, v0;
	v13 =	vor.u32 $0xC, v0;
	v15 =	vor.u32 $0xD, v0  }
0x6: {  	v16 =	vor.u32 $0xE, v0;
	v17 =	vor.u32 $0xF, v0;
	v18 =	vor.u32 $0x1, v14  }
0x7: {  	v19 =	vor.u32 $0x800, v0;
	v20 =	vor.u32 $0x801, v0;
	v21 =	vor.u32 $0x802, v0  }
0x8: {  	v22 =	vor.u32 $0x803, v0;
	v23 =	vor.u32 $0x804, v0;
	v24 =	vor.u32 $0x805, v0  }
0x9: {  	v25 =	vor.u32 $0x806, v0;
	v26 =	vor.u32 $0x807, v0;
	v27 =	vor.u32 $0x808, v0  }
0xa: {  	v28 =	vor.u32 $0x809, v0;
	v29 =	vor.u32 $0x80A, v0;
	v30 =	vor.u32 $0x80B, v0  }
0xb: {  	s3 =	rddreg [dreg:$0x0];
	v31 =	vor.u32 $0x80C, v0;
	v32 =	vor.u32 $0x80D, v0;
	v33 =	vor.u32 $0x80E, v0  }
0xc: {  	s4 =	rddreg [dreg:$0x1];
	v34 =	vor.u32 $0x80F, v0;
	v35 =	vor.u32 $0x20, v14;
	v36 =	vor.u32 $0x21, v14  }
0xd: {  	s5 =	rddreg [dreg:$0x2];
	v37 =	vor.u32 $0x1000, v0;
	v38 =	vor.u32 $0x1001, v0;
	v39 =	vor.u32 $0x1002, v0  }
0xe: {  	s6 =	rddreg [dreg:$0x3];
	v40 =	vor.u32 $0x1003, v0;
	v41 =	vor.u32 $0x1004, v0;
	v42 =	vor.u32 $0x1005, v0  }
0xf: {  	s0 =	rddreg [dreg:$0x4];
	v43 =	vor.u32 $0x1006, v0;
	v44 =	vor.u32 $0x1007, v0;
	[tilespmem:$0x1FF80] =	vst v1;
	v1 =	vor.u32 $0x2, v0  }
0x10: {  	s7 =	srdreg.scid;
	s1 =	stileid.u32;
	v45 =	vor.u32 $0x1008, v0;
	v46 =	vor.u32 $0x1009, v0;
	[tilespmem:$0x1FF90] =	vst v1;
	v1 =	vor.u32 $0x3, v0  }
0x11: {  	s2 =	simm.s32 $0x0;
	s7 =	sand.u32 $0x1, s7;
	s8 =	sshll.u32 s1, $0x1;
	v47 =	vor.u32 $0x100A, v0;
	v48 =	vor.u32 $0x100B, v0;
	[tilespmem:$0x1FFA0] =	vst v1;
	v1 =	vor.u32 $0x4, v0  }
0x12: {  	s11 =	simm.s32 $0x2100;
	s9 =	ssub.s32 $0x2, s7;
	s7 =	sor.u32 s7, s8;
	v49 =	vor.u32 $0x100C, v0;
	v50 =	vor.u32 $0x100D, v0;
	[tilespmem:$0x1FFB0] =	vst v1;
	v1 =	vor.u32 $0x5, v0  }
0x13: {  	[smem:$0x7FF] =	sst s2;
	s30 =	sshrl.u32 s9, $0x1;
	s10 =	sshll.u32 s7, $0xA;
	v51 =	vor.u32 $0x100E, v0;
	v52 =	vor.u32 $0x100F, v0;
	[tilespmem:$0x1FFC0] =	vst v1;
	v1 =	vor.u32 $0x6, v0  }
0x14: {  	s31 =	sshll.u32 s7, $0x4;
	v53 =	vor.u32 $0x40, v14;
	s7 =	sshll.u32 s7, $0x3;
	v54 =	vor.u32 $0x41, v14;
	s8 =	ssub.s32 s9, s30;
	[tilespmem:$0x1FFD0] =	vst v1;
	v1 =	vor.u32 $0x7, v0  }
0x15: {  	v55 =	vor.u32 $0x1800, v0;
	v56 =	vor.u32 $0x1801, v0;
	s3 =	sadd.s32 s3, s10;
	s4 =	sadd.s32 s4, s31;
	s5 =	sadd.s32 s5, s31;
	[tilespmem:$0x1FFE0] =	vst v1;
	v1 =	vor.u32 $0x8, v0  }
0x16: {  	v57 =	vor.u32 $0x1802, v0;
	v58 =	vor.u32 $0x1803, v0;
	v59 =	vor.u32 $0x1804, v0;
	s6 =	sadd.s32 s6, s7;
	s9 =	simm.s32 $0x2000;
	s10 =	simm.s32 $0x2080;
	[tilespmem:$0x1FFF0] =	vst v1  }
0x17: {  	v60 =	vor.u32 $0x1805, v0;
	v61 =	vor.u32 $0x1806, v0;
	v62 =	vor.u32 $0x1807, v0;
	s7 =	smax.u32 s8, $0x1;
	s8 =	simm.s32 $0x1;
	_ =	strace $0x80000047  }
.LBB2_1:
0x18: {  	[tilespmem:s2], [sflag:$0x1] =	stream.linear.gather [hbm4b:s3+s2], $0x2000, $0x38;
	[tilespmem:$0x2180] =	vst v63  }
0x19: {  	_ =	swait.ge [sflag:s8], $0x2000  }
0x1a: {  	v1 =	vld [tilespmem:$0x1FF80];
	_ =	sdelay $0x1  }
0x1b: {  	v3 =	vld [tilespmem:$0x1FF90];
	_ =	sdelay $0x1  }
0x1c: {  	[sflag:s8] =	ssyncset.done $0x0;
	v4 =	vld [tilespmem:$0x1FFA0]  }
0x1d: {  	[sflag:s8] =	ssyncadd.s32 $0xFFFFE000  }
0x1e: {  	v63 =	vld.idx.msk [tilespmem:v0+s2+$0x0], $0xffff;
	_ =	sdelay $0x1  }
0x1f: {  	v1 =	vld.idx.msk [tilespmem:v1+s2+$0x0], $0xffff;
	_ =	sdelay $0x1  }
0x20: {  	v3 =	vld.idx.msk [tilespmem:v3+s2+$0x0], $0xffff  }
0x21: {  	vm0 =	vgt.f32 v63, $-1.000000020e+30  }
0x22: {  	v63 =	vnsel vm0, $0xF149F2CA, v63;
	v4 =	vld.idx.msk [tilespmem:v4+s2+$0x0], $0xffff  }
0x23: {  	vm0 =	vgt.f32 v1, v63  }
0x24: {  	v5 =	vld [tilespmem:$0x1FFB0];
	v1 =	vsel vm0, v1, v63  }
0x25: {  	vm1 =	vgt.f32 v3, v1  }
0x26: {  	v1 =	vsel vm1, v3, v1;
	v3 =	vld [tilespmem:$0x1FFC0]  }
0x27: {  	vm2 =	vgt.f32 v4, v1  }
0x28: {  	v1 =	vsel vm2, v4, v1;
	v4 =	vld [tilespmem:$0x1FFD0];
	_ =	sdelay $0x1  }
0x29: {  	v6 =	vld [tilespmem:$0x1FFE0];
	_ =	sdelay $0x1  }
0x2a: {  	v63 =	vld.idx.msk [tilespmem:v5+s2+$0x0], $0xffff;
	_ =	sdelay $0x1  }
0x2b: {  	v3 =	vld.idx.msk [tilespmem:v3+s2+$0x0], $0xffff;
	_ =	sdelay $0x1  }
0x2c: {  	v4 =	vld.idx.msk [tilespmem:v4+s2+$0x0], $0xffff  }
0x2d: {  	vm3 =	vgt.f32 v63, v1  }
0x2e: {  	v1 =	vsel vm3, v63, v1;
	v63 =	vld.idx.msk [tilespmem:v6+s2+$0x0], $0xffff  }
0x2f: {  	vm10 =	vgt.f32 v3, v1  }
0x30: {  	v5 =	vsel vm0, $0x1, v2;
	v1 =	vsel vm10, v3, v1  }
0x31: {  	v5 =	vsel vm1, $0x2, v5;
	vm11 =	vgt.f32 v4, v1  }
0x32: {  	v5 =	vsel vm2, $0x3, v5;
	v1 =	vsel vm11, v4, v1  }
0x33: {  	v3 =	vsel vm3, $0x4, v5;
	vm12 =	vgt.f32 v63, v1;
	v63 =	vld [tilespmem:$0x1FFF0]  }
0x34: {  	v3 =	vsel vm10, $0x5, v3  }
0x35: {  	v3 =	vsel vm11, $0x6, v3  }
0x36: {  	v1 =	vsel vm12, $0x7, v3  }
0x37: {  	v3 =	vshll.u32 v1, $0x3  }
0x38: {  	v4 =	vadd.s32 v63, v3;
	_ =	sdelay $0x1  }
0x39: {  	v5 =	vadd.s32 v10, v3;
	_ =	sdelay $0x2  }
0x3a: {  	v63 =	vadd.s32 v11, v3;
	v4 =	vld.idx.msk [tilespmem:v4+s2+$0x0], $0xffff;
	_ =	sdelay $0x1  }
0x3b: {  	v5 =	vld.idx.msk [tilespmem:v5+s2+$0x0], $0xffff  }
0x3c: {  	v6 =	vadd.s32 v12, v3;
	_ =	sdelay $0x1  }
0x3d: {  	v63 =	vld.idx.msk [tilespmem:v63+s2+$0x0], $0xffff;
	vm13 =	vgt.f32 v4, $-1.000000020e+30  }
0x3e: {  	v7 =	vadd.s32 v13, v3;
	v4 =	vnsel vm13, $0xF149F2CA, v4  }
0x3f: {  	vm1 =	vgt.f32 v5, $-1.000000020e+30;
	vm0 =	vgt.f32 v5, v4  }
0x40: {  	v6 =	vld.idx.msk [tilespmem:v6+s2+$0x0], $0xffff;
	v8 =	vnsel vm1, $0xF149F2CA, v5;
	vm2 =	vmneg vm0  }
0x41: {  	v9 =	vadd.s32 v15, v3;
	v8 =	vsel vm2, v8, v4  }
0x42: {  	v4 =	vsel vm2, v4, v5;
	vm4 =	vgt.f32 v63, v8  }
0x43: {  	v7 =	vld.idx.msk [tilespmem:v7+s2+$0x0], $0xffff;
	vm3 =	vgt.f32 v63, v4;
	v5 =	vsel vm4, v63, v8  }
0x44: {  	v8 =	vadd.s32 v16, v3;
	v5 =	vsel vm3, v4, v5  }
0x45: {  	v4 =	vsel vm3, v63, v4;
	vm6 =	vgt.f32 v6, v5  }
0x46: {  	v9 =	vld.idx.msk [tilespmem:v9+s2+$0x0], $0xffff;
	vm5 =	vgt.f32 v6, v4;
	v5 =	vsel vm6, v6, v5  }
0x47: {  	v63 =	vadd.s32 v17, v3;
	v5 =	vsel vm5, v4, v5  }
0x48: {  	v4 =	vsel vm5, v6, v4;
	vm8 =	vgt.f32 v7, v5  }
0x49: {  	vm7 =	vgt.f32 v7, v4;
	v6 =	vld.idx.msk [tilespmem:v8+s2+$0x0], $0xffff;
	v5 =	vsel vm8, v7, v5  }
0x4a: {  	v5 =	vsel vm7, v4, v5  }
0x4b: {  	v4 =	vsel vm7, v7, v4;
	vm10 =	vgt.f32 v9, v5  }
0x4c: {  	v63 =	vld.idx.msk [tilespmem:v63+s2+$0x0], $0xffff;
	vm9 =	vgt.f32 v9, v4;
	v5 =	vsel vm10, v9, v5  }
0x4d: {  	v5 =	vsel vm9, v4, v5  }
0x4e: {  	v4 =	vsel vm9, v9, v4;
	vm11 =	vgt.f32 v6, v5  }
0x4f: {  	vm12 =	vgt.f32 v6, v4;
	v5 =	vsel vm11, v6, v5  }
0x50: {  	v5 =	vsel vm12, v4, v5  }
0x51: {  	v4 =	vsel vm12, v6, v4;
	vm13 =	vgt.f32 v63, v5  }
0x52: {  	vm14 =	vgt.f32 v63, v4;
	v5 =	vsel vm13, v63, v5  }
0x53: {  	v5 =	vsel vm14, v4, v5;
	v4 =	vsel vm14, v63, v4  }
0x54: {  	v4 =	vsub.f32 v5, v4;
	_ =	sdelay $0x1  }
0x55: {  	v4 =	vmul.f32 $1.442695020e+00, v4;
	_ =	sdelay $0x1  }
0x56: {  	(erf) = vpow2.f32 v4;
	_ =	sdelay $0x8  }
0x57: {  	v4 =	vpop (erf)  }
0x58: {  	vm1 =	vmand vm1, vm2;
	v5 =	vadd.f32 $1.000000000e+00, v4  }
0x59: {  	v6 =	vsel vm1, $0x1, v2  }
0x5a: {  	v6 =	vsel vm4, $0x2, v6;
	v63 =	vsel vm0, $0x1, v2;
	(erf) = vrcp.f32 v5  }
0x5b: {  	v5 =	vsel vm3, v63, v6  }
0x5c: {  	v63 =	vsel vm3, $0x2, v63;
	v5 =	vsel vm6, $0x3, v5  }
0x5d: {  	v5 =	vsel vm5, v63, v5  }
0x5e: {  	v6 =	vsel vm5, $0x3, v63;
	v5 =	vsel vm8, $0x4, v5  }
0x5f: {  	v5 =	vsel vm7, v6, v5  }
0x60: {  	v6 =	vsel vm7, $0x4, v6;
	v5 =	vsel vm10, $0x5, v5  }
0x61: {  	v5 =	vsel vm9, v6, v5  }
0x62: {  	v6 =	vsel vm9, $0x5, v6;
	v5 =	vsel vm11, $0x6, v5  }
0x63: {  	v5 =	vsel vm12, v6, v5;
	v6 =	vsel vm12, $0x6, v6;
	v63 =	vpop (erf)  }
0x64: {  	v5 =	vsel vm13, $0x7, v5;
	v8 =	vsel vm14, $0x7, v6;
	v4 =	vmul.f32 v63, v4  }
0x65: {  	v5 =	vsel vm14, v6, v5;
	v63 =	vadd.s32 v3, v8  }
0x66: {  	[tilespmem:v14+s9+$0x0] =	vst.idx.msk $0xffff, v63;
	v3 =	vadd.s32 v3, v5;
	v7 =	vsub.f32 $1.000000000e+00, v4  }
0x67: {  	[tilespmem:v18+s9+$0x0] =	vst.idx.msk $0xffff, v3  }
0x68: {  	[tilespmem:v14+s10+$0x0] =	vst.idx.msk $0xffff, v7  }
0x69: {  	[tilespmem:v18+s10+$0x0] =	vst.idx.msk $0xffff, v4  }
0x6a: {  	[tilespmem:$0x2100] =	vst v1  }
0x6b: {  	v1 =	vld.idx.msk [tilespmem:v19+s2+$0x0], $0xffff;
	_ =	sdelay $0x1  }
0x6c: {  	v3 =	vld.idx.msk [tilespmem:v20+s2+$0x0], $0xffff;
	_ =	sdelay $0x1  }
0x6d: {  	v4 =	vld.idx.msk [tilespmem:v21+s2+$0x0], $0xffff  }
0x6e: {  	vm14 =	vgt.f32 v1, $-1.000000020e+30  }
0x6f: {  	v63 =	vld.idx.msk [tilespmem:v22+s2+$0x0], $0xffff;
	v1 =	vnsel vm14, $0xF149F2CA, v1  }
0x70: {  	vm0 =	vgt.f32 v3, v1  }
0x71: {  	v1 =	vsel vm0, v3, v1;
	v3 =	vld.idx.msk [tilespmem:v23+s2+$0x0], $0xffff  }
0x72: {  	vm15 =	vgt.f32 v4, v1  }
0x73: {  	v1 =	vsel vm15, v4, v1;
	v4 =	vld.idx.msk [tilespmem:v24+s2+$0x0], $0xffff  }
0x74: {  	vm6 =	vgt.f32 v63, v1  }
0x75: {  	v5 =	vld.idx.msk [tilespmem:v25+s2+$0x0], $0xffff;
	v1 =	vsel vm6, v63, v1  }
0x76: {  	vm7 =	vgt.f32 v3, v1  }
0x77: {  	v63 =	vsel vm0, $0x1, v2;
	v1 =	vsel vm7, v3, v1;
	v3 =	vld.idx.msk [tilespmem:v26+s2+$0x0], $0xffff  }
0x78: {  	v6 =	vsel vm15, $0x2, v63;
	vm8 =	vgt.f32 v4, v1  }
0x79: {  	v6 =	vsel vm6, $0x3, v6;
	v1 =	vsel vm8, v4, v1  }
0x7a: {  	v63 =	vsel vm7, $0x4, v6;
	vm9 =	vgt.f32 v5, v1  }
0x7b: {  	v4 =	vsel vm8, $0x5, v63;
	v1 =	vsel vm9, v5, v1  }
0x7c: {  	v4 =	vsel vm9, $0x6, v4;
	vm10 =	vgt.f32 v3, v1  }
0x7d: {  	v1 =	vsel vm10, $0x7, v4  }
0x7e: {  	v3 =	vshll.u32 v1, $0x3  }
0x7f: {  	v4 =	vadd.s32 v27, v3;
	_ =	sdelay $0x1  }
0x80: {  	v63 =	vadd.s32 v28, v3;
	_ =	sdelay $0x2  }
0x81: {  	v6 =	vadd.s32 v29, v3;
	v4 =	vld.idx.msk [tilespmem:v4+s2+$0x0], $0xffff;
	_ =	sdelay $0x1  }
0x82: {  	v5 =	vld.idx.msk [tilespmem:v63+s2+$0x0], $0xffff  }
0x83: {  	v63 =	vadd.s32 v30, v3;
	_ =	sdelay $0x1  }
0x84: {  	v6 =	vld.idx.msk [tilespmem:v6+s2+$0x0], $0xffff;
	vm11 =	vgt.f32 v4, $-1.000000020e+30  }
0x85: {  	v8 =	vadd.s32 v31, v3;
	v4 =	vnsel vm11, $0xF149F2CA, v4  }
0x86: {  	vm1 =	vgt.f32 v5, $-1.000000020e+30;
	vm0 =	vgt.f32 v5, v4  }
0x87: {  	v7 =	vld.idx.msk [tilespmem:v63+s2+$0x0], $0xffff;
	v9 =	vnsel vm1, $0xF149F2CA, v5;
	vm2 =	vmneg vm0  }
0x88: {  	v63 =	vadd.s32 v32, v3;
	v9 =	vsel vm2, v9, v4  }
0x89: {  	v4 =	vsel vm2, v4, v5;
	vm4 =	vgt.f32 v6, v9  }
0x8a: {  	v8 =	vld.idx.msk [tilespmem:v8+s2+$0x0], $0xffff;
	vm3 =	vgt.f32 v6, v4;
	v5 =	vsel vm4, v6, v9  }
0x8b: {  	v9 =	vadd.s32 v33, v3;
	v5 =	vsel vm3, v4, v5  }
0x8c: {  	v4 =	vsel vm3, v6, v4;
	vm6 =	vgt.f32 v7, v5  }
0x8d: {  	v6 =	vld.idx.msk [tilespmem:v63+s2+$0x0], $0xffff;
	vm5 =	vgt.f32 v7, v4;
	v5 =	vsel vm6, v7, v5  }
0x8e: {  	v63 =	vadd.s32 v34, v3;
	v5 =	vsel vm5, v4, v5  }
0x8f: {  	v4 =	vsel vm5, v7, v4;
	vm8 =	vgt.f32 v8, v5  }
0x90: {  	vm7 =	vgt.f32 v8, v4;
	v7 =	vld.idx.msk [tilespmem:v9+s2+$0x0], $0xffff;
	v5 =	vsel vm8, v8, v5  }
0x91: {  	v5 =	vsel vm7, v4, v5  }
0x92: {  	v4 =	vsel vm7, v8, v4;
	vm10 =	vgt.f32 v6, v5  }
0x93: {  	v8 =	vld.idx.msk [tilespmem:v63+s2+$0x0], $0xffff;
	vm9 =	vgt.f32 v6, v4;
	v5 =	vsel vm10, v6, v5  }
0x94: {  	v5 =	vsel vm9, v4, v5  }
0x95: {  	v4 =	vsel vm9, v6, v4;
	vm11 =	vgt.f32 v7, v5  }
0x96: {  	vm12 =	vgt.f32 v7, v4;
	v5 =	vsel vm11, v7, v5  }
0x97: {  	v5 =	vsel vm12, v4, v5  }
0x98: {  	v4 =	vsel vm12, v7, v4;
	vm13 =	vgt.f32 v8, v5  }
0x99: {  	vm14 =	vgt.f32 v8, v4;
	v5 =	vsel vm13, v8, v5  }
0x9a: {  	v5 =	vsel vm14, v4, v5;
	v4 =	vsel vm14, v8, v4  }
0x9b: {  	v4 =	vsub.f32 v5, v4;
	_ =	sdelay $0x1  }
0x9c: {  	v4 =	vmul.f32 $1.442695020e+00, v4;
	_ =	sdelay $0x1  }
0x9d: {  	(erf) = vpow2.f32 v4;
	_ =	sdelay $0x8  }
0x9e: {  	v4 =	vpop (erf)  }
0x9f: {  	vm1 =	vmand vm1, vm2;
	v5 =	vadd.f32 $1.000000000e+00, v4  }
0xa0: {  	v6 =	vsel vm1, $0x1, v2  }
0xa1: {  	v63 =	vsel vm0, $0x1, v2;
	v6 =	vsel vm4, $0x2, v6;
	(erf) = vrcp.f32 v5  }
0xa2: {  	v5 =	vsel vm3, v63, v6  }
0xa3: {  	v63 =	vsel vm3, $0x2, v63;
	v5 =	vsel vm6, $0x3, v5  }
0xa4: {  	v5 =	vsel vm5, v63, v5  }
0xa5: {  	v6 =	vsel vm5, $0x3, v63;
	v5 =	vsel vm8, $0x4, v5  }
0xa6: {  	v5 =	vsel vm7, v6, v5  }
0xa7: {  	v6 =	vsel vm7, $0x4, v6;
	v5 =	vsel vm10, $0x5, v5  }
0xa8: {  	v5 =	vsel vm9, v6, v5  }
0xa9: {  	v6 =	vsel vm9, $0x5, v6;
	v5 =	vsel vm11, $0x6, v5  }
0xaa: {  	v5 =	vsel vm12, v6, v5;
	v6 =	vsel vm12, $0x6, v6;
	v63 =	vpop (erf)  }
0xab: {  	v5 =	vsel vm13, $0x7, v5;
	v8 =	vsel vm14, $0x7, v6;
	v4 =	vmul.f32 v63, v4  }
0xac: {  	v5 =	vsel vm14, v6, v5;
	v63 =	vadd.s32 v3, v8  }
0xad: {  	[tilespmem:v35+s9+$0x0] =	vst.idx.msk $0xffff, v63;
	v3 =	vadd.s32 v3, v5;
	v7 =	vsub.f32 $1.000000000e+00, v4  }
0xae: {  	[tilespmem:v36+s9+$0x0] =	vst.idx.msk $0xffff, v3  }
0xaf: {  	[tilespmem:v35+s10+$0x0] =	vst.idx.msk $0xffff, v7  }
0xb0: {  	[tilespmem:v36+s10+$0x0] =	vst.idx.msk $0xffff, v4  }
0xb1: {  	[tilespmem:$0x2110] =	vst v1  }
0xb2: {  	v1 =	vld.idx.msk [tilespmem:v37+s2+$0x0], $0xffff;
	_ =	sdelay $0x1  }
0xb3: {  	v3 =	vld.idx.msk [tilespmem:v38+s2+$0x0], $0xffff;
	_ =	sdelay $0x1  }
0xb4: {  	v4 =	vld.idx.msk [tilespmem:v39+s2+$0x0], $0xffff  }
0xb5: {  	vm12 =	vgt.f32 v1, $-1.000000020e+30  }
0xb6: {  	v63 =	vld.idx.msk [tilespmem:v40+s2+$0x0], $0xffff;
	v1 =	vnsel vm12, $0xF149F2CA, v1  }
0xb7: {  	vm0 =	vgt.f32 v3, v1  }
0xb8: {  	v1 =	vsel vm0, v3, v1;
	v3 =	vld.idx.msk [tilespmem:v41+s2+$0x0], $0xffff  }
0xb9: {  	vm13 =	vgt.f32 v4, v1  }
0xba: {  	v1 =	vsel vm13, v4, v1;
	v4 =	vld.idx.msk [tilespmem:v42+s2+$0x0], $0xffff  }
0xbb: {  	vm14 =	vgt.f32 v63, v1  }
0xbc: {  	v5 =	vld.idx.msk [tilespmem:v43+s2+$0x0], $0xffff;
	v1 =	vsel vm14, v63, v1  }
0xbd: {  	vm15 =	vgt.f32 v3, v1  }
0xbe: {  	v63 =	vsel vm0, $0x1, v2;
	v1 =	vsel vm15, v3, v1;
	v3 =	vld.idx.msk [tilespmem:v44+s2+$0x0], $0xffff  }
0xbf: {  	v6 =	vsel vm13, $0x2, v63;
	vm4 =	vgt.f32 v4, v1  }
0xc0: {  	v6 =	vsel vm14, $0x3, v6;
	v1 =	vsel vm4, v4, v1  }
0xc1: {  	v63 =	vsel vm15, $0x4, v6;
	vm5 =	vgt.f32 v5, v1  }
0xc2: {  	v4 =	vsel vm4, $0x5, v63;
	v1 =	vsel vm5, v5, v1  }
0xc3: {  	v4 =	vsel vm5, $0x6, v4;
	vm6 =	vgt.f32 v3, v1  }
0xc4: {  	v1 =	vsel vm6, $0x7, v4  }
0xc5: {  	v3 =	vshll.u32 v1, $0x3  }
0xc6: {  	v4 =	vadd.s32 v45, v3;
	_ =	sdelay $0x1  }
0xc7: {  	v63 =	vadd.s32 v46, v3;
	_ =	sdelay $0x2  }
0xc8: {  	v6 =	vadd.s32 v47, v3;
	v4 =	vld.idx.msk [tilespmem:v4+s2+$0x0], $0xffff;
	_ =	sdelay $0x1  }
0xc9: {  	v5 =	vld.idx.msk [tilespmem:v63+s2+$0x0], $0xffff  }
0xca: {  	v63 =	vadd.s32 v48, v3;
	_ =	sdelay $0x1  }
0xcb: {  	v6 =	vld.idx.msk [tilespmem:v6+s2+$0x0], $0xffff;
	vm7 =	vgt.f32 v4, $-1.000000020e+30  }
0xcc: {  	v8 =	vadd.s32 v49, v3;
	v4 =	vnsel vm7, $0xF149F2CA, v4  }
0xcd: {  	vm1 =	vgt.f32 v5, $-1.000000020e+30;
	vm0 =	vgt.f32 v5, v4  }
0xce: {  	v7 =	vld.idx.msk [tilespmem:v63+s2+$0x0], $0xffff;
	v9 =	vnsel vm1, $0xF149F2CA, v5;
	vm2 =	vmneg vm0  }
0xcf: {  	v63 =	vadd.s32 v50, v3;
	v9 =	vsel vm2, v9, v4  }
0xd0: {  	v4 =	vsel vm2, v4, v5;
	vm4 =	vgt.f32 v6, v9  }
0xd1: {  	v8 =	vld.idx.msk [tilespmem:v8+s2+$0x0], $0xffff;
	vm3 =	vgt.f32 v6, v4;
	v5 =	vsel vm4, v6, v9  }
0xd2: {  	v9 =	vadd.s32 v51, v3;
	v5 =	vsel vm3, v4, v5  }
0xd3: {  	v4 =	vsel vm3, v6, v4;
	vm6 =	vgt.f32 v7, v5  }
0xd4: {  	v6 =	vld.idx.msk [tilespmem:v63+s2+$0x0], $0xffff;
	vm5 =	vgt.f32 v7, v4;
	v5 =	vsel vm6, v7, v5  }
0xd5: {  	v63 =	vadd.s32 v52, v3;
	v5 =	vsel vm5, v4, v5  }
0xd6: {  	v4 =	vsel vm5, v7, v4;
	vm8 =	vgt.f32 v8, v5  }
0xd7: {  	vm7 =	vgt.f32 v8, v4;
	v7 =	vld.idx.msk [tilespmem:v9+s2+$0x0], $0xffff;
	v5 =	vsel vm8, v8, v5  }
0xd8: {  	v5 =	vsel vm7, v4, v5  }
0xd9: {  	v4 =	vsel vm7, v8, v4;
	vm10 =	vgt.f32 v6, v5  }
0xda: {  	v8 =	vld.idx.msk [tilespmem:v63+s2+$0x0], $0xffff;
	vm9 =	vgt.f32 v6, v4;
	v5 =	vsel vm10, v6, v5  }
0xdb: {  	v5 =	vsel vm9, v4, v5  }
0xdc: {  	v4 =	vsel vm9, v6, v4;
	vm11 =	vgt.f32 v7, v5  }
0xdd: {  	vm12 =	vgt.f32 v7, v4;
	v5 =	vsel vm11, v7, v5  }
0xde: {  	v5 =	vsel vm12, v4, v5  }
0xdf: {  	v4 =	vsel vm12, v7, v4;
	vm13 =	vgt.f32 v8, v5  }
0xe0: {  	vm14 =	vgt.f32 v8, v4;
	v5 =	vsel vm13, v8, v5  }
0xe1: {  	v5 =	vsel vm14, v4, v5;
	v4 =	vsel vm14, v8, v4  }
0xe2: {  	v4 =	vsub.f32 v5, v4;
	_ =	sdelay $0x1  }
0xe3: {  	v4 =	vmul.f32 $1.442695020e+00, v4;
	_ =	sdelay $0x1  }
0xe4: {  	(erf) = vpow2.f32 v4;
	_ =	sdelay $0x8  }
0xe5: {  	v4 =	vpop (erf)  }
0xe6: {  	vm1 =	vmand vm1, vm2;
	v5 =	vadd.f32 $1.000000000e+00, v4  }
0xe7: {  	v6 =	vsel vm1, $0x1, v2  }
0xe8: {  	v63 =	vsel vm0, $0x1, v2;
	v6 =	vsel vm4, $0x2, v6;
	(erf) = vrcp.f32 v5  }
0xe9: {  	v5 =	vsel vm3, v63, v6  }
0xea: {  	v63 =	vsel vm3, $0x2, v63;
	v5 =	vsel vm6, $0x3, v5  }
0xeb: {  	v5 =	vsel vm5, v63, v5  }
0xec: {  	v6 =	vsel vm5, $0x3, v63;
	v5 =	vsel vm8, $0x4, v5  }
0xed: {  	v5 =	vsel vm7, v6, v5  }
0xee: {  	v6 =	vsel vm7, $0x4, v6;
	v5 =	vsel vm10, $0x5, v5  }
0xef: {  	v5 =	vsel vm9, v6, v5  }
0xf0: {  	v6 =	vsel vm9, $0x5, v6;
	v5 =	vsel vm11, $0x6, v5  }
0xf1: {  	v5 =	vsel vm12, v6, v5;
	v6 =	vsel vm12, $0x6, v6;
	v63 =	vpop (erf)  }
0xf2: {  	v5 =	vsel vm13, $0x7, v5;
	v8 =	vsel vm14, $0x7, v6;
	v4 =	vmul.f32 v63, v4  }
0xf3: {  	v5 =	vsel vm14, v6, v5;
	v63 =	vadd.s32 v3, v8  }
0xf4: {  	[tilespmem:v53+s9+$0x0] =	vst.idx.msk $0xffff, v63;
	v3 =	vadd.s32 v3, v5;
	v7 =	vsub.f32 $1.000000000e+00, v4  }
0xf5: {  	[tilespmem:v54+s9+$0x0] =	vst.idx.msk $0xffff, v3  }
0xf6: {  	[tilespmem:v53+s10+$0x0] =	vst.idx.msk $0xffff, v7  }
0xf7: {  	[tilespmem:v54+s10+$0x0] =	vst.idx.msk $0xffff, v4  }
0xf8: {  	[tilespmem:$0x2120] =	vst v1  }
0xf9: {  	v1 =	vld.idx.msk [tilespmem:v55+s2+$0x0], $0xffff;
	_ =	sdelay $0x1  }
0xfa: {  	v3 =	vld.idx.msk [tilespmem:v56+s2+$0x0], $0xffff;
	_ =	sdelay $0x1  }
0xfb: {  	v4 =	vld.idx.msk [tilespmem:v57+s2+$0x0], $0xffff  }
0xfc: {  	vm8 =	vgt.f32 v1, $-1.000000020e+30  }
0xfd: {  	v63 =	vld.idx.msk [tilespmem:v58+s2+$0x0], $0xffff;
	v1 =	vnsel vm8, $0xF149F2CA, v1  }
0xfe: {  	vm0 =	vgt.f32 v3, v1  }
0xff: {  	v1 =	vsel vm0, v3, v1;
	v3 =	vld.idx.msk [tilespmem:v59+s2+$0x0], $0xffff  }
0x100: {  	vm9 =	vgt.f32 v4, v1  }
0x101: {  	v1 =	vsel vm9, v4, v1;
	v4 =	vld.idx.msk [tilespmem:v60+s2+$0x0], $0xffff  }
0x102: {  	vm10 =	vgt.f32 v63, v1  }
0x103: {  	v5 =	vld.idx.msk [tilespmem:v61+s2+$0x0], $0xffff;
	v1 =	vsel vm10, v63, v1  }
0x104: {  	vm11 =	vgt.f32 v3, v1  }
0x105: {  	v63 =	vsel vm0, $0x1, v2;
	v1 =	vsel vm11, v3, v1;
	v3 =	vld.idx.msk [tilespmem:v62+s2+$0x0], $0xffff  }
0x106: {  	v6 =	vsel vm9, $0x2, v63;
	vm12 =	vgt.f32 v4, v1  }
0x107: {  	v6 =	vsel vm10, $0x3, v6;
	v1 =	vsel vm12, v4, v1  }
0x108: {  	v63 =	vsel vm11, $0x4, v6;
	vm13 =	vgt.f32 v5, v1  }
0x109: {  	v4 =	vsel vm12, $0x5, v63;
	v1 =	vsel vm13, v5, v1  }
0x10a: {  	v4 =	vsel vm13, $0x6, v4;
	vm14 =	vgt.f32 v3, v1  }
0x10b: {  	v1 =	vsel vm14, $0x7, v4  }
0x10c: {  	v63 =	vor.u32 $0x1808, v0;
	v3 =	vshll.u32 v1, $0x3  }
0x10d: {  	v4 =	vadd.s32 v63, v3  }
0x10e: {  	v63 =	vor.u32 $0x1809, v0  }
0x10f: {  	v5 =	vadd.s32 v63, v3;
	_ =	sdelay $0x1  }
0x110: {  	v63 =	vor.u32 $0x180A, v0  }
0x111: {  	v6 =	vadd.s32 v63, v3;
	v4 =	vld.idx.msk [tilespmem:v4+s2+$0x0], $0xffff;
	_ =	sdelay $0x1  }
0x112: {  	v63 =	vor.u32 $0x180B, v0;
	v5 =	vld.idx.msk [tilespmem:v5+s2+$0x0], $0xffff  }
0x113: {  	v7 =	vadd.s32 v63, v3;
	_ =	sdelay $0x1  }
0x114: {  	v8 =	vor.u32 $0x180C, v0;
	v6 =	vld.idx.msk [tilespmem:v6+s2+$0x0], $0xffff;
	vm15 =	vgt.f32 v4, $-1.000000020e+30  }
0x115: {  	v8 =	vadd.s32 v8, v3;
	v4 =	vnsel vm15, $0xF149F2CA, v4  }
0x116: {  	vm1 =	vgt.f32 v5, $-1.000000020e+30;
	vm0 =	vgt.f32 v5, v4  }
0x117: {  	v63 =	vor.u32 $0x180D, v0;
	v7 =	vld.idx.msk [tilespmem:v7+s2+$0x0], $0xffff;
	v9 =	vnsel vm1, $0xF149F2CA, v5;
	vm2 =	vmneg vm0  }
0x118: {  	v63 =	vadd.s32 v63, v3;
	v9 =	vsel vm2, v9, v4  }
0x119: {  	v4 =	vsel vm2, v4, v5;
	vm4 =	vgt.f32 v6, v9  }
0x11a: {  	v8 =	vld.idx.msk [tilespmem:v8+s2+$0x0], $0xffff;
	vm3 =	vgt.f32 v6, v4;
	v5 =	vsel vm4, v6, v9;
	v9 =	vor.u32 $0x180E, v0  }
0x11b: {  	v5 =	vsel vm3, v4, v5;
	v9 =	vadd.s32 v9, v3  }
0x11c: {  	v4 =	vsel vm3, v6, v4;
	vm6 =	vgt.f32 v7, v5  }
0x11d: {  	v6 =	vld.idx.msk [tilespmem:v63+s2+$0x0], $0xffff;
	v63 =	vor.u32 $0x180F, v0;
	vm5 =	vgt.f32 v7, v4;
	v5 =	vsel vm6, v7, v5  }
0x11e: {  	v63 =	vadd.s32 v63, v3;
	v5 =	vsel vm5, v4, v5  }
0x11f: {  	v4 =	vsel vm5, v7, v4;
	vm8 =	vgt.f32 v8, v5  }
0x120: {  	vm7 =	vgt.f32 v8, v4;
	v5 =	vsel vm8, v8, v5;
	v7 =	vld.idx.msk [tilespmem:v9+s2+$0x0], $0xffff  }
0x121: {  	v5 =	vsel vm7, v4, v5  }
0x122: {  	v4 =	vsel vm7, v8, v4;
	vm10 =	vgt.f32 v6, v5  }
0x123: {  	v8 =	vld.idx.msk [tilespmem:v63+s2+$0x0], $0xffff;
	vm9 =	vgt.f32 v6, v4;
	v5 =	vsel vm10, v6, v5  }
0x124: {  	v5 =	vsel vm9, v4, v5  }
0x125: {  	v4 =	vsel vm9, v6, v4;
	vm13 =	vgt.f32 v7, v5  }
0x126: {  	vm11 =	vgt.f32 v7, v4;
	v5 =	vsel vm13, v7, v5  }
0x127: {  	v5 =	vsel vm11, v4, v5  }
0x128: {  	v4 =	vsel vm11, v7, v4;
	vm14 =	vgt.f32 v8, v5  }
0x129: {  	vm12 =	vgt.f32 v8, v4;
	v5 =	vsel vm14, v8, v5  }
0x12a: {  	v5 =	vsel vm12, v4, v5;
	v4 =	vsel vm12, v8, v4  }
0x12b: {  	v4 =	vsub.f32 v5, v4;
	_ =	sdelay $0x1  }
0x12c: {  	v4 =	vmul.f32 $1.442695020e+00, v4;
	_ =	sdelay $0x1  }
0x12d: {  	(erf) = vpow2.f32 v4;
	_ =	sdelay $0x8  }
0x12e: {  	v4 =	vpop (erf)  }
0x12f: {  	vm1 =	vmand vm1, vm2;
	v5 =	vadd.f32 $1.000000000e+00, v4  }
0x130: {  	v6 =	vsel vm1, $0x1, v2  }
0x131: {  	v63 =	vsel vm0, $0x1, v2;
	v6 =	vsel vm4, $0x2, v6;
	(erf) = vrcp.f32 v5  }
0x132: {  	v5 =	vsel vm3, v63, v6  }
0x133: {  	v63 =	vsel vm3, $0x2, v63;
	v5 =	vsel vm6, $0x3, v5  }
0x134: {  	v5 =	vsel vm5, v63, v5  }
0x135: {  	v6 =	vsel vm5, $0x3, v63;
	v5 =	vsel vm8, $0x4, v5  }
0x136: {  	v5 =	vsel vm7, v6, v5  }
0x137: {  	v6 =	vsel vm7, $0x4, v6;
	v5 =	vsel vm10, $0x5, v5  }
0x138: {  	v7 =	vor.u32 $0x60, v14;
	v5 =	vsel vm9, v6, v5  }
0x139: {  	v8 =	vor.u32 $0x61, v14;
	v6 =	vsel vm9, $0x5, v6;
	v5 =	vsel vm13, $0x6, v5  }
0x13a: {  	v5 =	vsel vm11, v6, v5;
	v6 =	vsel vm11, $0x6, v6;
	v9 =	vpop (erf)  }
0x13b: {  	v5 =	vsel vm14, $0x7, v5;
	v4 =	vmul.f32 v9, v4;
	v9 =	vsel vm12, $0x7, v6  }
0x13c: {  	v5 =	vsel vm12, v6, v5;
	v63 =	vadd.s32 v3, v9  }
0x13d: {  	v3 =	vadd.s32 v3, v5;
	[tilespmem:v7+s9+$0x0] =	vst.idx.msk $0xffff, v63;
	v63 =	vsub.f32 $1.000000000e+00, v4  }
0x13e: {  	[tilespmem:v8+s9+$0x0] =	vst.idx.msk $0xffff, v3  }
0x13f: {  	[tilespmem:v7+s10+$0x0] =	vst.idx.msk $0xffff, v63  }
0x140: {  	[tilespmem:v8+s10+$0x0] =	vst.idx.msk $0xffff, v4  }
0x141: {  	[tilespmem:$0x2130] =	vst v1  }
0x142: {  	[hbm4b:s4+s2] =	stream.linear.scatter [tilespmem:s9], [sflag:$0x1], $0x80, $0x38;
	[tilespmem:$0x2180] =	vst v63  }
0x143: {  	_ =	swait.ge [sflag:s8], $0x80  }
0x144: {  	[sflag:s8] =	ssyncset.done $0x0  }
0x145: {  	[sflag:s8] =	ssyncadd.s32 $0xFFFFFF80  }
0x146: {  	[hbm4b:s5+s2] =	stream.linear.scatter [tilespmem:s10], [sflag:$0x1], $0x80, $0x38;
	[tilespmem:$0x2180] =	vst v63  }
0x147: {  	_ =	swait.ge [sflag:s8], $0x80  }
0x148: {  	p0 =	sne.s32 s7, $0x1;
	[sflag:s8] =	ssyncset.done $0x0  }
.Ltmp0:
0x149: {  	[sflag:s8] =	ssyncadd.s32 $0xFFFFFF80;
	(pc) =	sbr.rel @p0 .LBB2_1-.Ltmp0, $4  }
0x14a: {  	[hbm4b:s6+s2] =	stream.linear.scatter [tilespmem:s11], [sflag:$0x1], $0x40, $0x38;
	[tilespmem:$0x2180] =	vst v63  }
0x14b: {  	_ =	swait.ge [sflag:s8], $0x40  }
0x14c: {  	[sflag:s8] =	ssyncset.done $0x0  }
0x14d: {  	s7 =	sadd.s32 $0xFFFFFFFF, s7;
	[sflag:s8] =	ssyncadd.s32 $0xFFFFFFC0  }
0x14e: {  	_ =	sfence.sel $0x180000  }
0x14f: {  	[bflag:$0x0] =	sbarrier.arrive $0xFFFF  }
0x150: {  	p0 =	sne.s32 s1, $0x0;
	_ =	strace $0x90000047  }
0x151: {  	s0 =	sadd.s32 @!p0 $0x100000, s0;
	[bflag:$0x2] =	sbarrier.arrive $0xFFFF  }
0x152: {  	[sflag:s0] =	ssyncadd.tile.s32 @!p0 $0x1;
	_ =	shalt  }
.Lfunc_end2:
_tile_overlayer_lowered:
.L_overlay_start_2:
0x153: {  	(tag) =	ssettag $0x2  }
0x154: {  	s0 =	rddreg [dreg:$0x0];
	s2 =	stileid.u32  }
0x155: {  	s1 =	rddreg [dreg:$0x1];
	p0 =	sne.s32 s2, $0x0  }
0x156: {  	s3 =	rddreg [dreg:$0x2];
	[bflag:$0x3] =	sbarrier.arrive $0xFFFF;
	s2 =	simm.s32 @!p0 $0x1C01  }
0x157: {  	[timem:s3], [sflag:s2] =	dma.local @!p0 [hbm:s0], s1  }
0x158: {  	s0 =	simm.s32 @!p0 $0x1  }
0x159: {  	_ =	swait.ge @!p0 [sflag:s0], s1  }
0x15a: {  	s1 =	ssub.s32 @!p0 $0x0, s1;
	[sflag:s0] =	ssyncset.done @!p0 $0x0  }
0x15b: {  	[sflag:s0] =	ssyncadd.s32 @!p0 s1  }
0x15c: {  	[bflag:$0x3] =	sbarrier.arrive $0xFFFF  }
0x15d: {  	_ =	shalt  }

</sc_bundles>
